<compile_context>
chip_gen: v7x
topology: tpu7x:2x2x1
jax: 0.10.2.dev20260603
libtpu: 0.0.44.dev20260713+nightly
codegen_flags: <defaults>
</compile_context>

<pallas_src>
import functools

import jax
import jax.numpy as jnp
from jax.experimental import pallas as pl
from jax.experimental.pallas import tpu as pltpu

_NH = 8
_NWIN = 7
_TOPK = 4


def _qkv_kernel(x_ref, wq_ref, wk_ref, wv_ref, bq_ref, bk_ref, bv_ref,
                q_ref, k_ref, v_ref, pq_ref, pk_ref, *, rs):
    nwin = pq_ref.shape[2]
    c = q_ref.shape[3]
    x = x_ref[0, 0]
    dims = (((0,), (0,)), ((), ()))
    q = jax.lax.dot_general(x, wq_ref[...], dims,
                            preferred_element_type=jnp.float32) + bq_ref[...]
    k = jax.lax.dot_general(x, wk_ref[...], dims,
                            preferred_element_type=jnp.float32) + bk_ref[...]
    v = jax.lax.dot_general(x, wv_ref[...], dims,
                            preferred_element_type=jnp.float32) + bv_ref[...]
    q_ref[0, 0] = q
    k_ref[0, 0] = k
    v_ref[0, 0] = v
    pq_ref[0, 0] = jnp.mean(q.reshape(rs[0], nwin, rs[1], c), axis=(0, 2))
    pk_ref[0, 0] = jnp.mean(k.reshape(rs[0], nwin, rs[1], c), axis=(0, 2))


def _route_kernel(qr_ref, kr_ref, idx_ref):
    B, nreg, _ = qr_ref.shape
    rows = []
    for b in range(B):
        rows.append(jax.lax.dot_general(
            qr_ref[b], kr_ref[b], (((1,), (1,)), ((), ())),
            preferred_element_type=jnp.float32))
    a = jnp.concatenate(rows, axis=0)
    col = jax.lax.broadcasted_iota(jnp.int32, a.shape, 1)
    picks = []
    for _ in range(_TOPK):
        m = jnp.max(a, axis=1, keepdims=True)
        cand = jnp.where(a == m, col, jnp.int32(2 ** 30))
        j = jnp.min(cand, axis=1, keepdims=True)
        picks.append(j)
        a = jnp.where(col == j, -jnp.inf, a)
    idx_ref[...] = jnp.concatenate(picks, axis=1).reshape(B, nreg, _TOPK)


def _attn_kernel(idx_ref, q_ref, k_ref, v_ref, o_ref, *, scale, nh, nwin):
    b = pl.program_id(0)
    t = pl.program_id(1)
    rw = pl.program_id(2)
    rsq = q_ref.shape[2] * q_ref.shape[4]
    c = q_ref.shape[5]
    hd = c // nh
    n = t * nwin + rw
    q = q_ref[0, 0, :, 0].reshape(rsq, c) * scale
    ks, vs = [], []
    for j in range(_TOPK):
        r = idx_ref[b, n, j]
        r1 = r // nwin
        r2 = r % nwin
        ks.append(k_ref[0, r1, :, r2].reshape(rsq, c))
        vs.append(v_ref[0, r1, :, r2].reshape(rsq, c))
    k = jnp.concatenate(ks, axis=0)
    v = jnp.concatenate(vs, axis=0)
    qt = jnp.concatenate([q] * nh, axis=0)
    row = jax.lax.broadcasted_iota(jnp.int32, (nh * rsq, c), 0)
    col = jax.lax.broadcasted_iota(jnp.int32, (nh * rsq, c), 1)
    qbd = jnp.where(row // rsq == col // hd, qt, 0.0)
    s = jax.lax.dot_general(qbd, k, (((1,), (1,)), ((), ())),
                            preferred_element_type=jnp.float32)
    m = jnp.max(s, axis=1, keepdims=True)
    e = jnp.exp(s - m)
    p = e / jnp.sum(e, axis=1, keepdims=True)
    ob = jnp.dot(p, v, preferred_element_type=jnp.float32)
    colh = col[:rsq] // hd
    acc = jnp.zeros((rsq, c), jnp.float32)
    for h in range(nh):
        acc = acc + jnp.where(colh == h, ob[h * rsq:(h + 1) * rsq], 0.0)
    o_ref[0, 0, :, 0] = acc.reshape(q_ref.shape[2], q_ref.shape[4], c)


def _out_kernel(ao_ref, vp_ref, wl_ref, bl_ref, wo_ref, bo_ref, o_ref):
    h = ao_ref.shape[1]
    w = ao_ref.shape[2]
    c = ao_ref.shape[3]
    acc = ao_ref[0]
    wl = wl_ref[...]
    for kx in range(3):
        vsh = vp_ref[0, :, kx:kx + w, :]
        for ky in range(3):
            acc = acc + vsh[ky:ky + h] * wl[ky * 3 + kx][None, None, :]
    acc = acc + bl_ref[...][None]
    t = acc.reshape(h * w, c)
    out = jnp.dot(t, wo_ref[...], preferred_element_type=jnp.float32) + bo_ref[...]
    o_ref[0] = out.reshape(h, w, c)


def kernel(x, Wqkv, bqkv, Wlepe, blepe, Wout, bout):
    B, C, H, W = x.shape
    nh = _NH
    hd = C // nh
    nwin = _NWIN
    rs = (H // nwin, W // nwin)
    nreg = nwin * nwin
    rsq = rs[0] * rs[1]
    slab = rs[0] * W
    scale = hd ** -0.5
    f32 = jnp.float32

    x3 = x.reshape(B, C, nwin, slab).transpose(0, 2, 1, 3)

    wq_t = Wqkv[:C].T
    wk_t = Wqkv[C:2 * C].T
    wv_t = Wqkv[2 * C:].T
    bq = bqkv[:C].reshape(1, C)
    bk = bqkv[C:2 * C].reshape(1, C)
    bv = bqkv[2 * C:].reshape(1, C)

    full2 = pl.BlockSpec((C, C), lambda b, t: (0, 0))
    bias2 = pl.BlockSpec((1, C), lambda b, t: (0, 0))
    seq_spec = pl.BlockSpec((1, 1, slab, C), lambda b, t: (b, t, 0, 0))
    pool_spec = pl.BlockSpec((1, 1, nwin, C), lambda b, t: (b, t, 0, 0))
    q_rt, k_rt, v_rt, pq, pk = pl.pallas_call(
        functools.partial(_qkv_kernel, rs=rs),
        grid=(B, nwin),
        in_specs=[pl.BlockSpec((1, 1, C, slab), lambda b, t: (b, t, 0, 0)),
                  full2, full2, full2, bias2, bias2, bias2],
        out_specs=[seq_spec, seq_spec, seq_spec, pool_spec, pool_spec],
        out_shape=[
            jax.ShapeDtypeStruct((B, nwin, slab, C), f32),
            jax.ShapeDtypeStruct((B, nwin, slab, C), f32),
            jax.ShapeDtypeStruct((B, nwin, slab, C), f32),
            jax.ShapeDtypeStruct((B, nwin, nwin, C), f32),
            jax.ShapeDtypeStruct((B, nwin, nwin, C), f32),
        ],
        compiler_params=pltpu.CompilerParams(
            dimension_semantics=("parallel", "parallel")),
    )(x3, wq_t, wk_t, wv_t, bq, bk, bv)

    q_r = pq.reshape(B, nreg, C)
    k_r = pk.reshape(B, nreg, C)
    idx = pl.pallas_call(
        _route_kernel,
        grid=(1,),
        in_specs=[pl.BlockSpec((B, nreg, C), lambda i: (0, 0, 0)),
                  pl.BlockSpec((B, nreg, C), lambda i: (0, 0, 0))],
        out_specs=pl.BlockSpec((B, nreg, _TOPK), lambda i: (0, 0, 0)),
        out_shape=jax.ShapeDtypeStruct((B, nreg, _TOPK), jnp.int32),
    )(q_r, k_r)

    shape6 = (B, nwin, rs[0], nwin, rs[1], C)
    q6 = q_rt.reshape(shape6)
    k6 = k_rt.reshape(shape6)
    v6 = v_rt.reshape(shape6)

    qblk = pl.BlockSpec((1, 1, rs[0], 1, rs[1], C),
                        lambda b, t, rw, idx_ref: (b, t, 0, rw, 0, 0))
    kvblk = pl.BlockSpec((1, nwin, rs[0], nwin, rs[1], C),
                         lambda b, t, rw, idx_ref: (b, 0, 0, 0, 0, 0))
    grid_spec = pltpu.PrefetchScalarGridSpec(
        num_scalar_prefetch=1,
        grid=(B, nwin, nwin),
        in_specs=[qblk, kvblk, kvblk],
        out_specs=qblk,
    )
    out_seq = pl.pallas_call(
        functools.partial(_attn_kernel, scale=scale, nh=nh, nwin=nwin),
        grid_spec=grid_spec,
        out_shape=jax.ShapeDtypeStruct(shape6, f32),
        compiler_params=pltpu.CompilerParams(
            dimension_semantics=("parallel", "arbitrary", "arbitrary")),
    )(idx, q6, k6, v6)

    ao = out_seq.reshape(B, H, W, C)
    v_pad = jnp.pad(v_rt.reshape(B, H, W, C),
                    ((0, 0), (1, 1), (1, 1), (0, 0)))
    wl9 = Wlepe.reshape(C, 9).T

    out_nhwc = pl.pallas_call(
        _out_kernel,
        grid=(B,),
        in_specs=[
            pl.BlockSpec((1, H, W, C), lambda b: (b, 0, 0, 0)),
            pl.BlockSpec((1, H + 2, W + 2, C), lambda b: (b, 0, 0, 0)),
            pl.BlockSpec((9, C), lambda b: (0, 0)),
            pl.BlockSpec((1, C), lambda b: (0, 0)),
            pl.BlockSpec((C, C), lambda b: (0, 0)),
            pl.BlockSpec((1, C), lambda b: (0, 0)),
        ],
        out_specs=pl.BlockSpec((1, H, W, C), lambda b: (b, 0, 0, 0)),
        out_shape=jax.ShapeDtypeStruct((B, H, W, C), f32),
        compiler_params=pltpu.CompilerParams(
            dimension_semantics=("parallel",)),
    )(ao, v_pad, wl9, blepe.reshape(1, C), Wout.T, bout.reshape(1, C))

    return out_nhwc.transpose(0, 3, 1, 2)

# --- scband reference (transcript-rebuilt; emitter-appended) ---
"""Pipeline reference for scband-bi-level-routing-attention-89945205112996 (READ-ONLY COPY).

The authoritative reference and input builder live on the scoring server;
editing this copy changes nothing except your own understanding.
"""

import jax, jax.numpy as jnp
import numpy as np

DIM = 192
NH = 8
NWIN = 7
TOPK = 4


def _grid2seq(x, rs, nh):
    B, C, H, W = x.shape
    rh, rw = H // rs[0], W // rs[1]
    hd = C // nh
    x = x.reshape(B, nh, hd, rh, rs[0], rw, rs[1])
    x = x.transpose(0, 1, 3, 5, 4, 6, 2)
    x = x.reshape(B, nh, rh * rw, rs[0] * rs[1], hd)
    return x, rh, rw


def _seq2grid(x, rh, rw, rs):
    B, nh, nreg, rsq, hd = x.shape
    x = x.reshape(B, nh, rh, rw, rs[0], rs[1], hd)
    x = x.transpose(0, 1, 6, 2, 4, 3, 5)
    return x.reshape(B, nh * hd, rh * rs[0], rw * rs[1])


def setup_inputs(seed: int = 0):
    key = jax.random.key(seed)
    ks = jax.random.split(key, 5)
    B, C, H, W = 16, DIM, 56, 56
    x = jax.random.normal(ks[0], (B, C, H, W), jnp.float32)
    Wqkv = jax.random.normal(ks[1], (3 * DIM, DIM), jnp.float32) * 0.05
    bqkv = jnp.zeros((3 * DIM,), jnp.float32)
    Wlepe = jax.random.normal(ks[2], (DIM, 1, 3, 3), jnp.float32) * 0.05
    blepe = jnp.zeros((DIM,), jnp.float32)
    Wout = jax.random.normal(ks[3], (DIM, DIM), jnp.float32) * 0.05
    bout = jnp.zeros((DIM,), jnp.float32)
    return {"x": x, "Wqkv": Wqkv, "bqkv": bqkv, "Wlepe": Wlepe,
            "blepe": blepe, "Wout": Wout, "bout": bout}


def reference(x, Wqkv, bqkv, Wlepe, blepe, Wout, bout):
    B, C, H, W = x.shape
    nh = NH
    hd = C // nh
    scale = hd ** -0.5
    rs = (max(1, H // NWIN), max(1, W // NWIN))
    # 1x1 qkv conv as matmul
    qkv = jnp.einsum('bchw,oc->bohw', x, Wqkv) + bqkv[None, :, None, None]
    q, k, v = jnp.split(qkv, 3, axis=1)
    # region-level avg pooling (H, W divisible by region size here)
    def pool(t):
        return t.reshape(B, C, NWIN, rs[0], NWIN, rs[1]).mean(axis=(3, 5))
    q_r = jax.lax.stop_gradient(pool(q))
    k_r = jax.lax.stop_gradient(pool(k))
    q_r = q_r.transpose(0, 2, 3, 1).reshape(B, NWIN * NWIN, C)
    k_r = k_r.reshape(B, C, NWIN * NWIN)
    a_r = q_r @ k_r
    kfix = min(TOPK, a_r.shape[-1])
    _, idx_r = jax.lax.top_k(a_r, kfix)  # [B, nreg, topk]
    idx = jnp.broadcast_to(idx_r[:, None], (B, nh, NWIN * NWIN, kfix))
    q_seq, rh, rw = _grid2seq(q, rs, nh)
    k_seq, _, _ = _grid2seq(k, rs, nh)
    v_seq, _, _ = _grid2seq(v, rs, nh)
    kv_rs = k_seq.shape[-2]
    qnr = q_seq.shape[2]
    bi = jnp.arange(B)[:, None, None, None]
    hi = jnp.arange(nh)[None, :, None, None]
    key_g = k_seq[bi, hi, idx]  # [B, nh, qnr, topk, kv_rs, hd]
    val_g = v_seq[bi, hi, idx]
    key_gf = key_g.reshape(B, nh, qnr, kfix * kv_rs, hd)
    val_gf = val_g.reshape(B, nh, qnr, kfix * kv_rs, hd)
    attn = jnp.einsum('bhnqd,bhnkd->bhnqk', q_seq * scale, key_gf)
    attn = jax.nn.softmax(attn, axis=-1)
    out = jnp.einsum('bhnqk,bhnkd->bhnqd', attn, val_gf)
    out = _seq2grid(out, rh, rw, rs)
    lepe = jax.lax.conv_general_dilated(
        v, Wlepe, (1, 1), 'SAME', feature_group_count=C,
        dimension_numbers=('NCHW', 'OIHW', 'NCHW')) + blepe[None, :, None, None]
    out = out + lepe
    out = jnp.einsum('bchw,oc->bohw', out, Wout) + bout[None, :, None, None]
    return out

if __name__ == "__main__":
    import jax
    _d = setup_inputs()
    print(jax.jit(kernel)(*tuple(_d.values())))

</pallas_src>

<mosaic_0001>
module attributes {stable_mosaic.version = 14 : i64} {
  func.func @_qkv_kernel(%arg0: i32, %arg1: i32, %arg2: memref<1x1x192x448xf32, #tpu.memory_space<vmem>>, %arg3: memref<192x192xf32, #tpu.memory_space<vmem>>, %arg4: memref<192x192xf32, #tpu.memory_space<vmem>>, %arg5: memref<192x192xf32, #tpu.memory_space<vmem>>, %arg6: memref<1x192xf32, #tpu.memory_space<vmem>>, %arg7: memref<1x192xf32, #tpu.memory_space<vmem>>, %arg8: memref<1x192xf32, #tpu.memory_space<vmem>>, %arg9: memref<1x1x448x192xf32, #tpu.memory_space<vmem>>, %arg10: memref<1x1x448x192xf32, #tpu.memory_space<vmem>>, %arg11: memref<1x1x448x192xf32, #tpu.memory_space<vmem>>, %arg12: memref<1x1x7x192xf32, #tpu.memory_space<vmem>>, %arg13: memref<1x1x7x192xf32, #tpu.memory_space<vmem>>) attributes {dimension_semantics = [#tpu.dimension_semantics<parallel>, #tpu.dimension_semantics<parallel>], iteration_bounds = array<i64: 16, 7>, scalar_prefetch = 0 : i64, scratch_operands = 0 : i64, tpu.core_type = #tpu.core_type<tc>, window_params = [{transform_indices = @transform_0, window_bounds = array<i64: 1, 1, 192, 448>}, {pipeline_mode = #tpu.pipeline_mode<synchronous>, transform_indices = @transform_1, window_bounds = array<i64: 192, 192>}, {pipeline_mode = #tpu.pipeline_mode<synchronous>, transform_indices = @transform_2, window_bounds = array<i64: 192, 192>}, {pipeline_mode = #tpu.pipeline_mode<synchronous>, transform_indices = @transform_3, window_bounds = array<i64: 192, 192>}, {pipeline_mode = #tpu.pipeline_mode<synchronous>, transform_indices = @transform_4, window_bounds = array<i64: 1, 192>}, {pipeline_mode = #tpu.pipeline_mode<synchronous>, transform_indices = @transform_5, window_bounds = array<i64: 1, 192>}, {pipeline_mode = #tpu.pipeline_mode<synchronous>, transform_indices = @transform_6, window_bounds = array<i64: 1, 192>}, {transform_indices = @transform_7, window_bounds = array<i64: 1, 1, 448, 192>}, {transform_indices = @transform_8, window_bounds = array<i64: 1, 1, 448, 192>}, {transform_indices = @transform_9, window_bounds = array<i64: 1, 1, 448, 192>}, {transform_indices = @transform_10, window_bounds = array<i64: 1, 1, 7, 192>}, {transform_indices = @transform_11, window_bounds = array<i64: 1, 1, 7, 192>}]} {
    %get3A = arith.constant 0 : index
    %get3A_0 = arith.constant 0 : index
    %get3A_1 = arith.constant 0 : index
    %get3A_2 = arith.constant 0 : index
    %get3A_3 = vector.load %arg2[%get3A, %get3A_0, %get3A_1, %get3A_2] : memref<1x1x192x448xf32, #tpu.memory_space<vmem>>, vector<1x1x192x448xf32>
    %get3A_4 = vector.shape_cast %get3A_3 : vector<1x1x192x448xf32> to vector<192x448xf32>
    %get3A_5 = arith.constant 0 : index
    %get3A_6 = arith.constant 0 : index
    %get3A_7 = vector.load %arg3[%get3A_5, %get3A_6] : memref<192x192xf32, #tpu.memory_space<vmem>>, vector<192x192xf32>
    %dot_general3A = arith.constant dense<0.000000e+00> : vector<448x192xf32>
    %dot_general3A_8 = tpu.matmul %get3A_4, %get3A_7, %dot_general3A {dimension_numbers = #tpu.dot_dimension_numbers<[0], [0], [1], [1], [0, 1, 1, 1], [], []>, transpose_lhs_hint = false} : vector<192x448xf32>, vector<192x192xf32>, vector<448x192xf32> -> vector<448x192xf32>
    %get3A_9 = arith.constant 0 : index
    %get3A_10 = arith.constant 0 : index
    %get3A_11 = vector.load %arg6[%get3A_9, %get3A_10] : memref<1x192xf32, #tpu.memory_space<vmem>>, vector<1x192xf32>
    %add3A = vector.broadcast %get3A_11 : vector<1x192xf32> to vector<448x192xf32>
    %add3A_12 = arith.addf %dot_general3A_8, %add3A : vector<448x192xf32>
    %get3A_13 = arith.constant 0 : index
    %get3A_14 = arith.constant 0 : index
    %get3A_15 = vector.load %arg4[%get3A_13, %get3A_14] : memref<192x192xf32, #tpu.memory_space<vmem>>, vector<192x192xf32>
    %dot_general3A_16 = arith.constant dense<0.000000e+00> : vector<448x192xf32>
    %dot_general3A_17 = tpu.matmul %get3A_4, %get3A_15, %dot_general3A_16 {dimension_numbers = #tpu.dot_dimension_numbers<[0], [0], [1], [1], [0, 1, 1, 1], [], []>, transpose_lhs_hint = false} : vector<192x448xf32>, vector<192x192xf32>, vector<448x192xf32> -> vector<448x192xf32>
    %get3A_18 = arith.constant 0 : index
    %get3A_19 = arith.constant 0 : index
    %get3A_20 = vector.load %arg7[%get3A_18, %get3A_19] : memref<1x192xf32, #tpu.memory_space<vmem>>, vector<1x192xf32>
    %add3A_21 = vector.broadcast %get3A_20 : vector<1x192xf32> to vector<448x192xf32>
    %add3A_22 = arith.addf %dot_general3A_17, %add3A_21 : vector<448x192xf32>
    %get3A_23 = arith.constant 0 : index
    %get3A_24 = arith.constant 0 : index
    %get3A_25 = vector.load %arg5[%get3A_23, %get3A_24] : memref<192x192xf32, #tpu.memory_space<vmem>>, vector<192x192xf32>
    %dot_general3A_26 = arith.constant dense<0.000000e+00> : vector<448x192xf32>
    %dot_general3A_27 = tpu.matmul %get3A_4, %get3A_25, %dot_general3A_26 {dimension_numbers = #tpu.dot_dimension_numbers<[0], [0], [1], [1], [0, 1, 1, 1], [], []>, transpose_lhs_hint = false} : vector<192x448xf32>, vector<192x192xf32>, vector<448x192xf32> -> vector<448x192xf32>
    %get3A_28 = arith.constant 0 : index
    %get3A_29 = arith.constant 0 : index
    %get3A_30 = vector.load %arg8[%get3A_28, %get3A_29] : memref<1x192xf32, #tpu.memory_space<vmem>>, vector<1x192xf32>
    %add3A_31 = vector.broadcast %get3A_30 : vector<1x192xf32> to vector<448x192xf32>
    %add3A_32 = arith.addf %dot_general3A_27, %add3A_31 : vector<448x192xf32>
    %swap3A = arith.constant 0 : index
    %swap3A_33 = arith.constant 0 : index
    %swap3A_34 = arith.constant 0 : index
    %swap3A_35 = arith.constant 0 : index
    %swap3A_36 = vector.load %arg9[%swap3A, %swap3A_33, %swap3A_34, %swap3A_35] : memref<1x1x448x192xf32, #tpu.memory_space<vmem>>, vector<1x1x448x192xf32>
    %swap3A_37 = vector.shape_cast %swap3A_36 : vector<1x1x448x192xf32> to vector<448x192xf32>
    %swap3A_38 = vector.shape_cast %add3A_12 : vector<448x192xf32> to vector<1x1x448x192xf32>
    tpu.vector_store %arg9[%swap3A, %swap3A_33, %swap3A_34, %swap3A_35], %swap3A_38 {strides = array<i32>} : memref<1x1x448x192xf32, #tpu.memory_space<vmem>>, vector<1x1x448x192xf32>,
    %swap3A_39 = arith.constant 0 : index
    %swap3A_40 = arith.constant 0 : index
    %swap3A_41 = arith.constant 0 : index
    %swap3A_42 = arith.constant 0 : index
    %swap3A_43 = vector.load %arg10[%swap3A_39, %swap3A_40, %swap3A_41, %swap3A_42] : memref<1x1x448x192xf32, #tpu.memory_space<vmem>>, vector<1x1x448x192xf32>
    %swap3A_44 = vector.shape_cast %swap3A_43 : vector<1x1x448x192xf32> to vector<448x192xf32>
    %swap3A_45 = vector.shape_cast %add3A_22 : vector<448x192xf32> to vector<1x1x448x192xf32>
    tpu.vector_store %arg10[%swap3A_39, %swap3A_40, %swap3A_41, %swap3A_42], %swap3A_45 {strides = array<i32>} : memref<1x1x448x192xf32, #tpu.memory_space<vmem>>, vector<1x1x448x192xf32>,
    %swap3A_46 = arith.constant 0 : index
    %swap3A_47 = arith.constant 0 : index
    %swap3A_48 = arith.constant 0 : index
    %swap3A_49 = arith.constant 0 : index
    %swap3A_50 = vector.load %arg11[%swap3A_46, %swap3A_47, %swap3A_48, %swap3A_49] : memref<1x1x448x192xf32, #tpu.memory_space<vmem>>, vector<1x1x448x192xf32>
    %swap3A_51 = vector.shape_cast %swap3A_50 : vector<1x1x448x192xf32> to vector<448x192xf32>
    %swap3A_52 = vector.shape_cast %add3A_32 : vector<448x192xf32> to vector<1x1x448x192xf32>
    tpu.vector_store %arg11[%swap3A_46, %swap3A_47, %swap3A_48, %swap3A_49], %swap3A_52 {strides = array<i32>} : memref<1x1x448x192xf32, #tpu.memory_space<vmem>>, vector<1x1x448x192xf32>,
    %reshape3A = vector.shape_cast %add3A_12 : vector<448x192xf32> to vector<8x7x8x192xf32>
    %reduce_sum3A = arith.constant dense<0.000000e+00> : vector<7x192xf32>
    %reduce_sum3A_53 = vector.multi_reduction <add>, %reshape3A, %reduce_sum3A [0, 2] : vector<8x7x8x192xf32> to vector<7x192xf32>
    %div3A = arith.constant 6.400000e+01 : f32
    %div3A_54 = vector.broadcast %div3A : f32 to vector<7x192xf32>
    %div3A_55 = arith.divf %reduce_sum3A_53, %div3A_54 : vector<7x192xf32>
    %swap3A_56 = arith.constant 0 : index
    %swap3A_57 = arith.constant 0 : index
    %swap3A_58 = arith.constant 0 : index
    %swap3A_59 = arith.constant 0 : index
    %swap3A_60 = vector.load %arg12[%swap3A_56, %swap3A_57, %swap3A_58, %swap3A_59] : memref<1x1x7x192xf32, #tpu.memory_space<vmem>>, vector<1x1x7x192xf32>
    %swap3A_61 = vector.shape_cast %swap3A_60 : vector<1x1x7x192xf32> to vector<7x192xf32>
    %swap3A_62 = vector.shape_cast %div3A_55 : vector<7x192xf32> to vector<1x1x7x192xf32>
    tpu.vector_store %arg12[%swap3A_56, %swap3A_57, %swap3A_58, %swap3A_59], %swap3A_62 {strides = array<i32>} : memref<1x1x7x192xf32, #tpu.memory_space<vmem>>, vector<1x1x7x192xf32>,
    %reshape3A_63 = vector.shape_cast %add3A_22 : vector<448x192xf32> to vector<8x7x8x192xf32>
    %reduce_sum3A_64 = arith.constant dense<0.000000e+00> : vector<7x192xf32>
    %reduce_sum3A_65 = vector.multi_reduction <add>, %reshape3A_63, %reduce_sum3A_64 [0, 2] : vector<8x7x8x192xf32> to vector<7x192xf32>
    %div3A_66 = arith.constant 6.400000e+01 : f32
    %div3A_67 = vector.broadcast %div3A_66 : f32 to vector<7x192xf32>
    %div3A_68 = arith.divf %reduce_sum3A_65, %div3A_67 : vector<7x192xf32>
    %swap3A_69 = arith.constant 0 : index
    %swap3A_70 = arith.constant 0 : index
    %swap3A_71 = arith.constant 0 : index
    %swap3A_72 = arith.constant 0 : index
    %swap3A_73 = vector.load %arg13[%swap3A_69, %swap3A_70, %swap3A_71, %swap3A_72] : memref<1x1x7x192xf32, #tpu.memory_space<vmem>>, vector<1x1x7x192xf32>
    %swap3A_74 = vector.shape_cast %swap3A_73 : vector<1x1x7x192xf32> to vector<7x192xf32>
    %swap3A_75 = vector.shape_cast %div3A_68 : vector<7x192xf32> to vector<1x1x7x192xf32>
    tpu.vector_store %arg13[%swap3A_69, %swap3A_70, %swap3A_71, %swap3A_72], %swap3A_75 {strides = array<i32>} : memref<1x1x7x192xf32, #tpu.memory_space<vmem>>, vector<1x1x7x192xf32>,
    return
  }
  func.func @transform_0(%arg0: i32, %arg1: i32) -> (i32, i32, i32, i32) {
    %c0_i32 = arith.constant 0 : i32
    %c0_i32_0 = arith.constant 0 : i32
    %c0_i32_1 = arith.constant 0 : i32
    return %arg0, %arg1, %c0_i32, %c0_i32_0 : i32, i32, i32, i32
  }
  func.func @transform_1(%arg0: i32, %arg1: i32) -> (i32, i32) {
    %c0_i32 = arith.constant 0 : i32
    %c0_i32_0 = arith.constant 0 : i32
    %c0_i32_1 = arith.constant 0 : i32
    return %c0_i32, %c0_i32_0 : i32, i32
  }
  func.func @transform_2(%arg0: i32, %arg1: i32) -> (i32, i32) {
    %c0_i32 = arith.constant 0 : i32
    %c0_i32_0 = arith.constant 0 : i32
    %c0_i32_1 = arith.constant 0 : i32
    return %c0_i32, %c0_i32_0 : i32, i32
  }
  func.func @transform_3(%arg0: i32, %arg1: i32) -> (i32, i32) {
    %c0_i32 = arith.constant 0 : i32
    %c0_i32_0 = arith.constant 0 : i32
    %c0_i32_1 = arith.constant 0 : i32
    return %c0_i32, %c0_i32_0 : i32, i32
  }
  func.func @transform_4(%arg0: i32, %arg1: i32) -> (i32, i32) {
    %c0_i32 = arith.constant 0 : i32
    %c0_i32_0 = arith.constant 0 : i32
    %c0_i32_1 = arith.constant 0 : i32
    return %c0_i32, %c0_i32_0 : i32, i32
  }
  func.func @transform_5(%arg0: i32, %arg1: i32) -> (i32, i32) {
    %c0_i32 = arith.constant 0 : i32
    %c0_i32_0 = arith.constant 0 : i32
    %c0_i32_1 = arith.constant 0 : i32
    return %c0_i32, %c0_i32_0 : i32, i32
  }
  func.func @transform_6(%arg0: i32, %arg1: i32) -> (i32, i32) {
    %c0_i32 = arith.constant 0 : i32
    %c0_i32_0 = arith.constant 0 : i32
    %c0_i32_1 = arith.constant 0 : i32
    return %c0_i32, %c0_i32_0 : i32, i32
  }
  func.func @transform_7(%arg0: i32, %arg1: i32) -> (i32, i32, i32, i32) {
    %c0_i32 = arith.constant 0 : i32
    %c0_i32_0 = arith.constant 0 : i32
    %c0_i32_1 = arith.constant 0 : i32
    return %arg0, %arg1, %c0_i32, %c0_i32_0 : i32, i32, i32, i32
  }
  func.func @transform_8(%arg0: i32, %arg1: i32) -> (i32, i32, i32, i32) {
    %c0_i32 = arith.constant 0 : i32
    %c0_i32_0 = arith.constant 0 : i32
    %c0_i32_1 = arith.constant 0 : i32
    return %arg0, %arg1, %c0_i32, %c0_i32_0 : i32, i32, i32, i32
  }
  func.func @transform_9(%arg0: i32, %arg1: i32) -> (i32, i32, i32, i32) {
    %c0_i32 = arith.constant 0 : i32
    %c0_i32_0 = arith.constant 0 : i32
    %c0_i32_1 = arith.constant 0 : i32
    return %arg0, %arg1, %c0_i32, %c0_i32_0 : i32, i32, i32, i32
  }
  func.func @transform_10(%arg0: i32, %arg1: i32) -> (i32, i32, i32, i32) {
    %c0_i32 = arith.constant 0 : i32
    %c0_i32_0 = arith.constant 0 : i32
    %c0_i32_1 = arith.constant 0 : i32
    return %arg0, %arg1, %c0_i32, %c0_i32_0 : i32, i32, i32, i32
  }
  func.func @transform_11(%arg0: i32, %arg1: i32) -> (i32, i32, i32, i32) {
    %c0_i32 = arith.constant 0 : i32
    %c0_i32_0 = arith.constant 0 : i32
    %c0_i32_1 = arith.constant 0 : i32
    return %arg0, %arg1, %c0_i32, %c0_i32_0 : i32, i32, i32, i32
  }
}

module attributes {stable_mosaic.version = 14 : i64} {
  func.func @_route_kernel(%arg0: i32, %arg1: memref<16x49x192xf32, #tpu.memory_space<vmem>>, %arg2: memref<16x49x192xf32, #tpu.memory_space<vmem>>, %arg3: memref<16x49x4xi32, #tpu.memory_space<vmem>>) attributes {dimension_semantics = [#tpu.dimension_semantics<arbitrary>], iteration_bounds = array<i64: 1>, scalar_prefetch = 0 : i64, scratch_operands = 0 : i64, tpu.core_type = #tpu.core_type<tc>, window_params = [{pipeline_mode = #tpu.pipeline_mode<synchronous>, transform_indices = @transform_0, window_bounds = array<i64: 16, 49, 192>}, {pipeline_mode = #tpu.pipeline_mode<synchronous>, transform_indices = @transform_1, window_bounds = array<i64: 16, 49, 192>}, {pipeline_mode = #tpu.pipeline_mode<synchronous>, transform_indices = @transform_2, window_bounds = array<i64: 16, 49, 4>}]} {
    %get3A = arith.constant 0 : index
    %get3A_0 = arith.constant 0 : index
    %get3A_1 = arith.constant 0 : index
    %get3A_2 = vector.load %arg1[%get3A, %get3A_0, %get3A_1] : memref<16x49x192xf32, #tpu.memory_space<vmem>>, vector<1x49x192xf32>
    %get3A_3 = vector.shape_cast %get3A_2 : vector<1x49x192xf32> to vector<49x192xf32>
    %get3A_4 = arith.constant 0 : index
    %get3A_5 = arith.constant 0 : index
    %get3A_6 = arith.constant 0 : index
    %get3A_7 = vector.load %arg2[%get3A_4, %get3A_5, %get3A_6] : memref<16x49x192xf32, #tpu.memory_space<vmem>>, vector<1x49x192xf32>
    %get3A_8 = vector.shape_cast %get3A_7 : vector<1x49x192xf32> to vector<49x192xf32>
    %dot_general3A = arith.constant dense<0.000000e+00> : vector<49x49xf32>
    %dot_general3A_9 = tpu.matmul %get3A_3, %get3A_8, %dot_general3A {dimension_numbers = #tpu.dot_dimension_numbers<[1], [1], [0], [0], [0, 0, 1, 0], [], []>, transpose_lhs_hint = false} : vector<49x192xf32>, vector<49x192xf32>, vector<49x49xf32> -> vector<49x49xf32>
    %get3A_10 = arith.constant 1 : index
    %get3A_11 = arith.constant 0 : index
    %get3A_12 = arith.constant 0 : index
    %get3A_13 = vector.load %arg1[%get3A_10, %get3A_11, %get3A_12] : memref<16x49x192xf32, #tpu.memory_space<vmem>>, vector<1x49x192xf32>
    %get3A_14 = vector.shape_cast %get3A_13 : vector<1x49x192xf32> to vector<49x192xf32>
    %get3A_15 = arith.constant 1 : index
    %get3A_16 = arith.constant 0 : index
    %get3A_17 = arith.constant 0 : index
    %get3A_18 = vector.load %arg2[%get3A_15, %get3A_16, %get3A_17] : memref<16x49x192xf32, #tpu.memory_space<vmem>>, vector<1x49x192xf32>
    %get3A_19 = vector.shape_cast %get3A_18 : vector<1x49x192xf32> to vector<49x192xf32>
    %dot_general3A_20 = arith.constant dense<0.000000e+00> : vector<49x49xf32>
    %dot_general3A_21 = tpu.matmul %get3A_14, %get3A_19, %dot_general3A_20 {dimension_numbers = #tpu.dot_dimension_numbers<[1], [1], [0], [0], [0, 0, 1, 0], [], []>, transpose_lhs_hint = false} : vector<49x192xf32>, vector<49x192xf32>, vector<49x49xf32> -> vector<49x49xf32>
    %get3A_22 = arith.constant 2 : index
    %get3A_23 = arith.constant 0 : index
    %get3A_24 = arith.constant 0 : index
    %get3A_25 = vector.load %arg1[%get3A_22, %get3A_23, %get3A_24] : memref<16x49x192xf32, #tpu.memory_space<vmem>>, vector<1x49x192xf32>
    %get3A_26 = vector.shape_cast %get3A_25 : vector<1x49x192xf32> to vector<49x192xf32>
    %get3A_27 = arith.constant 2 : index
    %get3A_28 = arith.constant 0 : index
    %get3A_29 = arith.constant 0 : index
    %get3A_30 = vector.load %arg2[%get3A_27, %get3A_28, %get3A_29] : memref<16x49x192xf32, #tpu.memory_space<vmem>>, vector<1x49x192xf32>
    %get3A_31 = vector.shape_cast %get3A_30 : vector<1x49x192xf32> to vector<49x192xf32>
    %dot_general3A_32 = arith.constant dense<0.000000e+00> : vector<49x49xf32>
    %dot_general3A_33 = tpu.matmul %get3A_26, %get3A_31, %dot_general3A_32 {dimension_numbers = #tpu.dot_dimension_numbers<[1], [1], [0], [0], [0, 0, 1, 0], [], []>, transpose_lhs_hint = false} : vector<49x192xf32>, vector<49x192xf32>, vector<49x49xf32> -> vector<49x49xf32>
    %get3A_34 = arith.constant 3 : index
    %get3A_35 = arith.constant 0 : index
    %get3A_36 = arith.constant 0 : index
    %get3A_37 = vector.load %arg1[%get3A_34, %get3A_35, %get3A_36] : memref<16x49x192xf32, #tpu.memory_space<vmem>>, vector<1x49x192xf32>
    %get3A_38 = vector.shape_cast %get3A_37 : vector<1x49x192xf32> to vector<49x192xf32>
    %get3A_39 = arith.constant 3 : index
    %get3A_40 = arith.constant 0 : index
    %get3A_41 = arith.constant 0 : index
    %get3A_42 = vector.load %arg2[%get3A_39, %get3A_40, %get3A_41] : memref<16x49x192xf32, #tpu.memory_space<vmem>>, vector<1x49x192xf32>
    %get3A_43 = vector.shape_cast %get3A_42 : vector<1x49x192xf32> to vector<49x192xf32>
    %dot_general3A_44 = arith.constant dense<0.000000e+00> : vector<49x49xf32>
    %dot_general3A_45 = tpu.matmul %get3A_38, %get3A_43, %dot_general3A_44 {dimension_numbers = #tpu.dot_dimension_numbers<[1], [1], [0], [0], [0, 0, 1, 0], [], []>, transpose_lhs_hint = false} : vector<49x192xf32>, vector<49x192xf32>, vector<49x49xf32> -> vector<49x49xf32>
    %get3A_46 = arith.constant 4 : index
    %get3A_47 = arith.constant 0 : index
    %get3A_48 = arith.constant 0 : index
    %get3A_49 = vector.load %arg1[%get3A_46, %get3A_47, %get3A_48] : memref<16x49x192xf32, #tpu.memory_space<vmem>>, vector<1x49x192xf32>
    %get3A_50 = vector.shape_cast %get3A_49 : vector<1x49x192xf32> to vector<49x192xf32>
    %get3A_51 = arith.constant 4 : index
    %get3A_52 = arith.constant 0 : index
    %get3A_53 = arith.constant 0 : index
    %get3A_54 = vector.load %arg2[%get3A_51, %get3A_52, %get3A_53] : memref<16x49x192xf32, #tpu.memory_space<vmem>>, vector<1x49x192xf32>
    %get3A_55 = vector.shape_cast %get3A_54 : vector<1x49x192xf32> to vector<49x192xf32>
    %dot_general3A_56 = arith.constant dense<0.000000e+00> : vector<49x49xf32>
    %dot_general3A_57 = tpu.matmul %get3A_50, %get3A_55, %dot_general3A_56 {dimension_numbers = #tpu.dot_dimension_numbers<[1], [1], [0], [0], [0, 0, 1, 0], [], []>, transpose_lhs_hint = false} : vector<49x192xf32>, vector<49x192xf32>, vector<49x49xf32> -> vector<49x49xf32>
    %get3A_58 = arith.constant 5 : index
    %get3A_59 = arith.constant 0 : index
    %get3A_60 = arith.constant 0 : index
    %get3A_61 = vector.load %arg1[%get3A_58, %get3A_59, %get3A_60] : memref<16x49x192xf32, #tpu.memory_space<vmem>>, vector<1x49x192xf32>
    %get3A_62 = vector.shape_cast %get3A_61 : vector<1x49x192xf32> to vector<49x192xf32>
    %get3A_63 = arith.constant 5 : index
    %get3A_64 = arith.constant 0 : index
    %get3A_65 = arith.constant 0 : index
    %get3A_66 = vector.load %arg2[%get3A_63, %get3A_64, %get3A_65] : memref<16x49x192xf32, #tpu.memory_space<vmem>>, vector<1x49x192xf32>
    %get3A_67 = vector.shape_cast %get3A_66 : vector<1x49x192xf32> to vector<49x192xf32>
    %dot_general3A_68 = arith.constant dense<0.000000e+00> : vector<49x49xf32>
    %dot_general3A_69 = tpu.matmul %get3A_62, %get3A_67, %dot_general3A_68 {dimension_numbers = #tpu.dot_dimension_numbers<[1], [1], [0], [0], [0, 0, 1, 0], [], []>, transpose_lhs_hint = false} : vector<49x192xf32>, vector<49x192xf32>, vector<49x49xf32> -> vector<49x49xf32>
    %get3A_70 = arith.constant 6 : index
    %get3A_71 = arith.constant 0 : index
    %get3A_72 = arith.constant 0 : index
    %get3A_73 = vector.load %arg1[%get3A_70, %get3A_71, %get3A_72] : memref<16x49x192xf32, #tpu.memory_space<vmem>>, vector<1x49x192xf32>
    %get3A_74 = vector.shape_cast %get3A_73 : vector<1x49x192xf32> to vector<49x192xf32>
    %get3A_75 = arith.constant 6 : index
    %get3A_76 = arith.constant 0 : index
    %get3A_77 = arith.constant 0 : index
    %get3A_78 = vector.load %arg2[%get3A_75, %get3A_76, %get3A_77] : memref<16x49x192xf32, #tpu.memory_space<vmem>>, vector<1x49x192xf32>
    %get3A_79 = vector.shape_cast %get3A_78 : vector<1x49x192xf32> to vector<49x192xf32>
    %dot_general3A_80 = arith.constant dense<0.000000e+00> : vector<49x49xf32>
    %dot_general3A_81 = tpu.matmul %get3A_74, %get3A_79, %dot_general3A_80 {dimension_numbers = #tpu.dot_dimension_numbers<[1], [1], [0], [0], [0, 0, 1, 0], [], []>, transpose_lhs_hint = false} : vector<49x192xf32>, vector<49x192xf32>, vector<49x49xf32> -> vector<49x49xf32>
    %get3A_82 = arith.constant 7 : index
    %get3A_83 = arith.constant 0 : index
    %get3A_84 = arith.constant 0 : index
    %get3A_85 = vector.load %arg1[%get3A_82, %get3A_83, %get3A_84] : memref<16x49x192xf32, #tpu.memory_space<vmem>>, vector<1x49x192xf32>
    %get3A_86 = vector.shape_cast %get3A_85 : vector<1x49x192xf32> to vector<49x192xf32>
    %get3A_87 = arith.constant 7 : index
    %get3A_88 = arith.constant 0 : index
    %get3A_89 = arith.constant 0 : index
    %get3A_90 = vector.load %arg2[%get3A_87, %get3A_88, %get3A_89] : memref<16x49x192xf32, #tpu.memory_space<vmem>>, vector<1x49x192xf32>
    %get3A_91 = vector.shape_cast %get3A_90 : vector<1x49x192xf32> to vector<49x192xf32>
    %dot_general3A_92 = arith.constant dense<0.000000e+00> : vector<49x49xf32>
    %dot_general3A_93 = tpu.matmul %get3A_86, %get3A_91, %dot_general3A_92 {dimension_numbers = #tpu.dot_dimension_numbers<[1], [1], [0], [0], [0, 0, 1, 0], [], []>, transpose_lhs_hint = false} : vector<49x192xf32>, vector<49x192xf32>, vector<49x49xf32> -> vector<49x49xf32>
    %get3A_94 = arith.constant 8 : index
    %get3A_95 = arith.constant 0 : index
    %get3A_96 = arith.constant 0 : index
    %get3A_97 = vector.load %arg1[%get3A_94, %get3A_95, %get3A_96] : memref<16x49x192xf32, #tpu.memory_space<vmem>>, vector<1x49x192xf32>
    %get3A_98 = vector.shape_cast %get3A_97 : vector<1x49x192xf32> to vector<49x192xf32>
    %get3A_99 = arith.constant 8 : index
    %get3A_100 = arith.constant 0 : index
    %get3A_101 = arith.constant 0 : index
    %get3A_102 = vector.load %arg2[%get3A_99, %get3A_100, %get3A_101] : memref<16x49x192xf32, #tpu.memory_space<vmem>>, vector<1x49x192xf32>
    %get3A_103 = vector.shape_cast %get3A_102 : vector<1x49x192xf32> to vector<49x192xf32>
    %dot_general3A_104 = arith.constant dense<0.000000e+00> : vector<49x49xf32>
    %dot_general3A_105 = tpu.matmul %get3A_98, %get3A_103, %dot_general3A_104 {dimension_numbers = #tpu.dot_dimension_numbers<[1], [1], [0], [0], [0, 0, 1, 0], [], []>, transpose_lhs_hint = false} : vector<49x192xf32>, vector<49x192xf32>, vector<49x49xf32> -> vector<49x49xf32>
    %get3A_106 = arith.constant 9 : index
    %get3A_107 = arith.constant 0 : index
    %get3A_108 = arith.constant 0 : index
    %get3A_109 = vector.load %arg1[%get3A_106, %get3A_107, %get3A_108] : memref<16x49x192xf32, #tpu.memory_space<vmem>>, vector<1x49x192xf32>
    %get3A_110 = vector.shape_cast %get3A_109 : vector<1x49x192xf32> to vector<49x192xf32>
    %get3A_111 = arith.constant 9 : index
    %get3A_112 = arith.constant 0 : index
    %get3A_113 = arith.constant 0 : index
    %get3A_114 = vector.load %arg2[%get3A_111, %get3A_112, %get3A_113] : memref<16x49x192xf32, #tpu.memory_space<vmem>>, vector<1x49x192xf32>
    %get3A_115 = vector.shape_cast %get3A_114 : vector<1x49x192xf32> to vector<49x192xf32>
    %dot_general3A_116 = arith.constant dense<0.000000e+00> : vector<49x49xf32>
    %dot_general3A_117 = tpu.matmul %get3A_110, %get3A_115, %dot_general3A_116 {dimension_numbers = #tpu.dot_dimension_numbers<[1], [1], [0], [0], [0, 0, 1, 0], [], []>, transpose_lhs_hint = false} : vector<49x192xf32>, vector<49x192xf32>, vector<49x49xf32> -> vector<49x49xf32>
    %get3A_118 = arith.constant 10 : index
    %get3A_119 = arith.constant 0 : index
    %get3A_120 = arith.constant 0 : index
    %get3A_121 = vector.load %arg1[%get3A_118, %get3A_119, %get3A_120] : memref<16x49x192xf32, #tpu.memory_space<vmem>>, vector<1x49x192xf32>
    %get3A_122 = vector.shape_cast %get3A_121 : vector<1x49x192xf32> to vector<49x192xf32>
    %get3A_123 = arith.constant 10 : index
    %get3A_124 = arith.constant 0 : index
    %get3A_125 = arith.constant 0 : index
    %get3A_126 = vector.load %arg2[%get3A_123, %get3A_124, %get3A_125] : memref<16x49x192xf32, #tpu.memory_space<vmem>>, vector<1x49x192xf32>
    %get3A_127 = vector.shape_cast %get3A_126 : vector<1x49x192xf32> to vector<49x192xf32>
    %dot_general3A_128 = arith.constant dense<0.000000e+00> : vector<49x49xf32>
    %dot_general3A_129 = tpu.matmul %get3A_122, %get3A_127, %dot_general3A_128 {dimension_numbers = #tpu.dot_dimension_numbers<[1], [1], [0], [0], [0, 0, 1, 0], [], []>, transpose_lhs_hint = false} : vector<49x192xf32>, vector<49x192xf32>, vector<49x49xf32> -> vector<49x49xf32>
    %get3A_130 = arith.constant 11 : index
    %get3A_131 = arith.constant 0 : index
    %get3A_132 = arith.constant 0 : index
    %get3A_133 = vector.load %arg1[%get3A_130, %get3A_131, %get3A_132] : memref<16x49x192xf32, #tpu.memory_space<vmem>>, vector<1x49x192xf32>
    %get3A_134 = vector.shape_cast %get3A_133 : vector<1x49x192xf32> to vector<49x192xf32>
    %get3A_135 = arith.constant 11 : index
    %get3A_136 = arith.constant 0 : index
    %get3A_137 = arith.constant 0 : index
    %get3A_138 = vector.load %arg2[%get3A_135, %get3A_136, %get3A_137] : memref<16x49x192xf32, #tpu.memory_space<vmem>>, vector<1x49x192xf32>
    %get3A_139 = vector.shape_cast %get3A_138 : vector<1x49x192xf32> to vector<49x192xf32>
    %dot_general3A_140 = arith.constant dense<0.000000e+00> : vector<49x49xf32>
    %dot_general3A_141 = tpu.matmul %get3A_134, %get3A_139, %dot_general3A_140 {dimension_numbers = #tpu.dot_dimension_numbers<[1], [1], [0], [0], [0, 0, 1, 0], [], []>, transpose_lhs_hint = false} : vector<49x192xf32>, vector<49x192xf32>, vector<49x49xf32> -> vector<49x49xf32>
    %get3A_142 = arith.constant 12 : index
    %get3A_143 = arith.constant 0 : index
    %get3A_144 = arith.constant 0 : index
    %get3A_145 = vector.load %arg1[%get3A_142, %get3A_143, %get3A_144] : memref<16x49x192xf32, #tpu.memory_space<vmem>>, vector<1x49x192xf32>
    %get3A_146 = vector.shape_cast %get3A_145 : vector<1x49x192xf32> to vector<49x192xf32>
    %get3A_147 = arith.constant 12 : index
    %get3A_148 = arith.constant 0 : index
    %get3A_149 = arith.constant 0 : index
    %get3A_150 = vector.load %arg2[%get3A_147, %get3A_148, %get3A_149] : memref<16x49x192xf32, #tpu.memory_space<vmem>>, vector<1x49x192xf32>
    %get3A_151 = vector.shape_cast %get3A_150 : vector<1x49x192xf32> to vector<49x192xf32>
    %dot_general3A_152 = arith.constant dense<0.000000e+00> : vector<49x49xf32>
    %dot_general3A_153 = tpu.matmul %get3A_146, %get3A_151, %dot_general3A_152 {dimension_numbers = #tpu.dot_dimension_numbers<[1], [1], [0], [0], [0, 0, 1, 0], [], []>, transpose_lhs_hint = false} : vector<49x192xf32>, vector<49x192xf32>, vector<49x49xf32> -> vector<49x49xf32>
    %get3A_154 = arith.constant 13 : index
    %get3A_155 = arith.constant 0 : index
    %get3A_156 = arith.constant 0 : index
    %get3A_157 = vector.load %arg1[%get3A_154, %get3A_155, %get3A_156] : memref<16x49x192xf32, #tpu.memory_space<vmem>>, vector<1x49x192xf32>
    %get3A_158 = vector.shape_cast %get3A_157 : vector<1x49x192xf32> to vector<49x192xf32>
    %get3A_159 = arith.constant 13 : index
    %get3A_160 = arith.constant 0 : index
    %get3A_161 = arith.constant 0 : index
    %get3A_162 = vector.load %arg2[%get3A_159, %get3A_160, %get3A_161] : memref<16x49x192xf32, #tpu.memory_space<vmem>>, vector<1x49x192xf32>
    %get3A_163 = vector.shape_cast %get3A_162 : vector<1x49x192xf32> to vector<49x192xf32>
    %dot_general3A_164 = arith.constant dense<0.000000e+00> : vector<49x49xf32>
    %dot_general3A_165 = tpu.matmul %get3A_158, %get3A_163, %dot_general3A_164 {dimension_numbers = #tpu.dot_dimension_numbers<[1], [1], [0], [0], [0, 0, 1, 0], [], []>, transpose_lhs_hint = false} : vector<49x192xf32>, vector<49x192xf32>, vector<49x49xf32> -> vector<49x49xf32>
    %get3A_166 = arith.constant 14 : index
    %get3A_167 = arith.constant 0 : index
    %get3A_168 = arith.constant 0 : index
    %get3A_169 = vector.load %arg1[%get3A_166, %get3A_167, %get3A_168] : memref<16x49x192xf32, #tpu.memory_space<vmem>>, vector<1x49x192xf32>
    %get3A_170 = vector.shape_cast %get3A_169 : vector<1x49x192xf32> to vector<49x192xf32>
    %get3A_171 = arith.constant 14 : index
    %get3A_172 = arith.constant 0 : index
    %get3A_173 = arith.constant 0 : index
    %get3A_174 = vector.load %arg2[%get3A_171, %get3A_172, %get3A_173] : memref<16x49x192xf32, #tpu.memory_space<vmem>>, vector<1x49x192xf32>
    %get3A_175 = vector.shape_cast %get3A_174 : vector<1x49x192xf32> to vector<49x192xf32>
    %dot_general3A_176 = arith.constant dense<0.000000e+00> : vector<49x49xf32>
    %dot_general3A_177 = tpu.matmul %get3A_170, %get3A_175, %dot_general3A_176 {dimension_numbers = #tpu.dot_dimension_numbers<[1], [1], [0], [0], [0, 0, 1, 0], [], []>, transpose_lhs_hint = false} : vector<49x192xf32>, vector<49x192xf32>, vector<49x49xf32> -> vector<49x49xf32>
    %get3A_178 = arith.constant 15 : index
    %get3A_179 = arith.constant 0 : index
    %get3A_180 = arith.constant 0 : index
    %get3A_181 = vector.load %arg1[%get3A_178, %get3A_179, %get3A_180] : memref<16x49x192xf32, #tpu.memory_space<vmem>>, vector<1x49x192xf32>
    %get3A_182 = vector.shape_cast %get3A_181 : vector<1x49x192xf32> to vector<49x192xf32>
    %get3A_183 = arith.constant 15 : index
    %get3A_184 = arith.constant 0 : index
    %get3A_185 = arith.constant 0 : index
    %get3A_186 = vector.load %arg2[%get3A_183, %get3A_184, %get3A_185] : memref<16x49x192xf32, #tpu.memory_space<vmem>>, vector<1x49x192xf32>
    %get3A_187 = vector.shape_cast %get3A_186 : vector<1x49x192xf32> to vector<49x192xf32>
    %dot_general3A_188 = arith.constant dense<0.000000e+00> : vector<49x49xf32>
    %dot_general3A_189 = tpu.matmul %get3A_182, %get3A_187, %dot_general3A_188 {dimension_numbers = #tpu.dot_dimension_numbers<[1], [1], [0], [0], [0, 0, 1, 0], [], []>, transpose_lhs_hint = false} : vector<49x192xf32>, vector<49x192xf32>, vector<49x49xf32> -> vector<49x49xf32>
    %concatenate3A = tpu.concatenate %dot_general3A_9, %dot_general3A_21, %dot_general3A_33, %dot_general3A_45, %dot_general3A_57, %dot_general3A_69, %dot_general3A_81, %dot_general3A_93, %dot_general3A_105, %dot_general3A_117, %dot_general3A_129, %dot_general3A_141, %dot_general3A_153, %dot_general3A_165, %dot_general3A_177, %dot_general3A_189 in 0 : vector<49x49xf32>, vector<49x49xf32>, vector<49x49xf32>, vector<49x49xf32>, vector<49x49xf32>, vector<49x49xf32>, vector<49x49xf32>, vector<49x49xf32>, vector<49x49xf32>, vector<49x49xf32>, vector<49x49xf32>, vector<49x49xf32>, vector<49x49xf32>, vector<49x49xf32>, vector<49x49xf32>, vector<49x49xf32> -> vector<784x49xf32>
    %iota3A = tpu.iota {dimensions = array<i32: 1>} : vector<784x49xi32>
    %reduce_max3A = arith.constant dense<0xFF800000> : vector<784xf32>
    %reduce_max3A_190 = vector.multi_reduction <maximumf>, %concatenate3A, %reduce_max3A [1] : vector<784x49xf32> to vector<784xf32>
    %broadcast_in_dim3A = vector.shape_cast %reduce_max3A_190 : vector<784xf32> to vector<784x1xf32>
    %eq3A = vector.broadcast %broadcast_in_dim3A : vector<784x1xf32> to vector<784x49xf32>
    %eq3A_191 = arith.cmpf oeq, %concatenate3A, %eq3A : vector<784x49xf32>
    %jit3A = arith.constant 1073741824 : i32
    %broadcast_in_dim3A_192 = vector.broadcast %jit3A : i32 to vector<784x49xi32>
    %select_n3A = arith.select %eq3A_191, %iota3A, %broadcast_in_dim3A_192 : vector<784x49xi1>, vector<784x49xi32>
    %reduce_min3A = arith.constant dense<2147483647> : vector<784xi32>
    %reduce_min3A_193 = vector.multi_reduction <minsi>, %select_n3A, %reduce_min3A [1] : vector<784x49xi32> to vector<784xi32>
    %broadcast_in_dim3A_194 = vector.shape_cast %reduce_min3A_193 : vector<784xi32> to vector<784x1xi32>
    %eq3A_195 = vector.broadcast %broadcast_in_dim3A_194 : vector<784x1xi32> to vector<784x49xi32>
    %eq3A_196 = arith.cmpi eq, %iota3A, %eq3A_195 : vector<784x49xi32>
    %jit3A_197 = arith.constant 0xFF800000 : f32
    %broadcast_in_dim3A_198 = vector.broadcast %jit3A_197 : f32 to vector<784x49xf32>
    %select_n3A_199 = arith.select %eq3A_196, %broadcast_in_dim3A_198, %concatenate3A : vector<784x49xi1>, vector<784x49xf32>
    %reduce_max3A_200 = arith.constant dense<0xFF800000> : vector<784xf32>
    %reduce_max3A_201 = vector.multi_reduction <maximumf>, %select_n3A_199, %reduce_max3A_200 [1] : vector<784x49xf32> to vector<784xf32>
    %broadcast_in_dim3A_202 = vector.shape_cast %reduce_max3A_201 : vector<784xf32> to vector<784x1xf32>
    %eq3A_203 = vector.broadcast %broadcast_in_dim3A_202 : vector<784x1xf32> to vector<784x49xf32>
    %eq3A_204 = arith.cmpf oeq, %select_n3A_199, %eq3A_203 : vector<784x49xf32>
    %jit3A_205 = arith.constant 1073741824 : i32
    %broadcast_in_dim3A_206 = vector.broadcast %jit3A_205 : i32 to vector<784x49xi32>
    %select_n3A_207 = arith.select %eq3A_204, %iota3A, %broadcast_in_dim3A_206 : vector<784x49xi1>, vector<784x49xi32>
    %reduce_min3A_208 = arith.constant dense<2147483647> : vector<784xi32>
    %reduce_min3A_209 = vector.multi_reduction <minsi>, %select_n3A_207, %reduce_min3A_208 [1] : vector<784x49xi32> to vector<784xi32>
    %broadcast_in_dim3A_210 = vector.shape_cast %reduce_min3A_209 : vector<784xi32> to vector<784x1xi32>
    %eq3A_211 = vector.broadcast %broadcast_in_dim3A_210 : vector<784x1xi32> to vector<784x49xi32>
    %eq3A_212 = arith.cmpi eq, %iota3A, %eq3A_211 : vector<784x49xi32>
    %jit3A_213 = arith.constant 0xFF800000 : f32
    %broadcast_in_dim3A_214 = vector.broadcast %jit3A_213 : f32 to vector<784x49xf32>
    %select_n3A_215 = arith.select %eq3A_212, %broadcast_in_dim3A_214, %select_n3A_199 : vector<784x49xi1>, vector<784x49xf32>
    %reduce_max3A_216 = arith.constant dense<0xFF800000> : vector<784xf32>
    %reduce_max3A_217 = vector.multi_reduction <maximumf>, %select_n3A_215, %reduce_max3A_216 [1] : vector<784x49xf32> to vector<784xf32>
    %broadcast_in_dim3A_218 = vector.shape_cast %reduce_max3A_217 : vector<784xf32> to vector<784x1xf32>
    %eq3A_219 = vector.broadcast %broadcast_in_dim3A_218 : vector<784x1xf32> to vector<784x49xf32>
    %eq3A_220 = arith.cmpf oeq, %select_n3A_215, %eq3A_219 : vector<784x49xf32>
    %jit3A_221 = arith.constant 1073741824 : i32
    %broadcast_in_dim3A_222 = vector.broadcast %jit3A_221 : i32 to vector<784x49xi32>
    %select_n3A_223 = arith.select %eq3A_220, %iota3A, %broadcast_in_dim3A_222 : vector<784x49xi1>, vector<784x49xi32>
    %reduce_min3A_224 = arith.constant dense<2147483647> : vector<784xi32>
    %reduce_min3A_225 = vector.multi_reduction <minsi>, %select_n3A_223, %reduce_min3A_224 [1] : vector<784x49xi32> to vector<784xi32>
    %broadcast_in_dim3A_226 = vector.shape_cast %reduce_min3A_225 : vector<784xi32> to vector<784x1xi32>
    %eq3A_227 = vector.broadcast %broadcast_in_dim3A_226 : vector<784x1xi32> to vector<784x49xi32>
    %eq3A_228 = arith.cmpi eq, %iota3A, %eq3A_227 : vector<784x49xi32>
    %jit3A_229 = arith.constant 0xFF800000 : f32
    %broadcast_in_dim3A_230 = vector.broadcast %jit3A_229 : f32 to vector<784x49xf32>
    %select_n3A_231 = arith.select %eq3A_228, %broadcast_in_dim3A_230, %select_n3A_215 : vector<784x49xi1>, vector<784x49xf32>
    %reduce_max3A_232 = arith.constant dense<0xFF800000> : vector<784xf32>
    %reduce_max3A_233 = vector.multi_reduction <maximumf>, %select_n3A_231, %reduce_max3A_232 [1] : vector<784x49xf32> to vector<784xf32>
    %broadcast_in_dim3A_234 = vector.shape_cast %reduce_max3A_233 : vector<784xf32> to vector<784x1xf32>
    %eq3A_235 = vector.broadcast %broadcast_in_dim3A_234 : vector<784x1xf32> to vector<784x49xf32>
    %eq3A_236 = arith.cmpf oeq, %select_n3A_231, %eq3A_235 : vector<784x49xf32>
    %jit3A_237 = arith.constant 1073741824 : i32
    %broadcast_in_dim3A_238 = vector.broadcast %jit3A_237 : i32 to vector<784x49xi32>
    %select_n3A_239 = arith.select %eq3A_236, %iota3A, %broadcast_in_dim3A_238 : vector<784x49xi1>, vector<784x49xi32>
    %reduce_min3A_240 = arith.constant dense<2147483647> : vector<784xi32>
    %reduce_min3A_241 = vector.multi_reduction <minsi>, %select_n3A_239, %reduce_min3A_240 [1] : vector<784x49xi32> to vector<784xi32>
    %broadcast_in_dim3A_242 = vector.shape_cast %reduce_min3A_241 : vector<784xi32> to vector<784x1xi32>
    %concatenate3A_243 = tpu.concatenate %broadcast_in_dim3A_194, %broadcast_in_dim3A_210, %broadcast_in_dim3A_226, %broadcast_in_dim3A_242 in 1 : vector<784x1xi32>, vector<784x1xi32>, vector<784x1xi32>, vector<784x1xi32> -> vector<784x4xi32>
    %reshape3A = vector.shape_cast %concatenate3A_243 : vector<784x4xi32> to vector<16x49x4xi32>
    %swap3A = arith.constant 0 : index
    %swap3A_244 = arith.constant 0 : index
    %swap3A_245 = arith.constant 0 : index
    %swap3A_246 = vector.load %arg3[%swap3A, %swap3A_244, %swap3A_245] : memref<16x49x4xi32, #tpu.memory_space<vmem>>, vector<16x49x4xi32>
    tpu.vector_store %arg3[%swap3A, %swap3A_244, %swap3A_245], %reshape3A {strides = array<i32>} : memref<16x49x4xi32, #tpu.memory_space<vmem>>, vector<16x49x4xi32>,
    return
  }
  func.func @transform_0(%arg0: i32) -> (i32, i32, i32) {
    %c0_i32 = arith.constant 0 : i32
    %c0_i32_0 = arith.constant 0 : i32
    %c0_i32_1 = arith.constant 0 : i32
    %c0_i32_2 = arith.constant 0 : i32
    return %c0_i32, %c0_i32_0, %c0_i32_1 : i32, i32, i32
  }
  func.func @transform_1(%arg0: i32) -> (i32, i32, i32) {
    %c0_i32 = arith.constant 0 : i32
    %c0_i32_0 = arith.constant 0 : i32
    %c0_i32_1 = arith.constant 0 : i32
    %c0_i32_2 = arith.constant 0 : i32
    return %c0_i32, %c0_i32_0, %c0_i32_1 : i32, i32, i32
  }
  func.func @transform_2(%arg0: i32) -> (i32, i32, i32) {
    %c0_i32 = arith.constant 0 : i32
    %c0_i32_0 = arith.constant 0 : i32
    %c0_i32_1 = arith.constant 0 : i32
    %c0_i32_2 = arith.constant 0 : i32
    return %c0_i32, %c0_i32_0, %c0_i32_1 : i32, i32, i32
  }
}

module attributes {stable_mosaic.version = 14 : i64} {
  func.func @_attn_kernel(%arg0: i32, %arg1: i32, %arg2: i32, %arg3: memref<16x49x4xi32, #tpu.memory_space<smem>>, %arg4: memref<1x1x8x1x8x192xf32, #tpu.memory_space<vmem>>, %arg5: memref<1x7x8x7x8x192xf32, #tpu.memory_space<vmem>>, %arg6: memref<1x7x8x7x8x192xf32, #tpu.memory_space<vmem>>, %arg7: memref<1x1x8x1x8x192xf32, #tpu.memory_space<vmem>>) attributes {dimension_semantics = [#tpu.dimension_semantics<parallel>, #tpu.dimension_semantics<arbitrary>, #tpu.dimension_semantics<arbitrary>], iteration_bounds = array<i64: 16, 7, 7>, scalar_prefetch = 1 : i64, scratch_operands = 0 : i64, tpu.core_type = #tpu.core_type<tc>, window_params = [{transform_indices = @transform_0, window_bounds = array<i64: 1, 1, 8, 1, 8, 192>}, {transform_indices = @transform_1, window_bounds = array<i64: 1, 7, 8, 7, 8, 192>}, {transform_indices = @transform_2, window_bounds = array<i64: 1, 7, 8, 7, 8, 192>}, {transform_indices = @transform_3, window_bounds = array<i64: 1, 1, 8, 1, 8, 192>}]} {
    %mul3A = arith.constant 7 : i32
    %mul3A_0 = arith.muli %arg1, %mul3A : i32
    %add3A = arith.addi %mul3A_0, %arg2 : i32
    %get3A = arith.constant 0 : index
    %get3A_1 = arith.constant 0 : index
    %get3A_2 = arith.constant 0 : index
    %get3A_3 = arith.constant 0 : index
    %get3A_4 = arith.constant 0 : index
    %get3A_5 = arith.constant 0 : index
    %get3A_6 = vector.load %arg4[%get3A, %get3A_1, %get3A_2, %get3A_3, %get3A_4, %get3A_5] : memref<1x1x8x1x8x192xf32, #tpu.memory_space<vmem>>, vector<1x1x8x1x8x192xf32>
    %get3A_7 = vector.shape_cast %get3A_6 : vector<1x1x8x1x8x192xf32> to vector<8x8x192xf32>
    %reshape3A = vector.shape_cast %get3A_7 : vector<8x8x192xf32> to vector<64x192xf32>
    %mul3A_8 = arith.constant 0.204124153 : f32
    %mul3A_9 = vector.broadcast %mul3A_8 : f32 to vector<64x192xf32>
    %mul3A_10 = arith.mulf %reshape3A, %mul3A_9 : vector<64x192xf32>
    %get3A_11 = arith.index_cast %arg0 : i32 to index
    %get3A_12 = arith.index_cast %add3A : i32 to index
    %get3A_13 = arith.constant 0 : index
    %get3A_14 = memref.load %arg3[%get3A_11, %get3A_12, %get3A_13] : memref<16x49x4xi32, #tpu.memory_space<smem>>
    %jit3A = arith.constant 7 : i32
    %div3A = arith.divsi %get3A_14, %jit3A : i32
    %sign3A = arith.constant 0 : i32
    %sign3A_15 = arith.cmpi sgt, %get3A_14, %sign3A : i32
    %sign3A_16 = arith.extui %sign3A_15 : i1 to i32
    %sign3A_17 = arith.constant 0 : i32
    %sign3A_18 = arith.cmpi slt, %get3A_14, %sign3A_17 : i32
    %sign3A_19 = arith.extui %sign3A_18 : i1 to i32
    %sign3A_20 = arith.subi %sign3A_16, %sign3A_19 : i32
    %sign3A_21 = arith.constant 0 : i32
    %sign3A_22 = arith.cmpi sgt, %jit3A, %sign3A_21 : i32
    %sign3A_23 = arith.extui %sign3A_22 : i1 to i32
    %sign3A_24 = arith.constant 0 : i32
    %sign3A_25 = arith.cmpi slt, %jit3A, %sign3A_24 : i32
    %sign3A_26 = arith.extui %sign3A_25 : i1 to i32
    %sign3A_27 = arith.subi %sign3A_23, %sign3A_26 : i32
    %ne3A = arith.cmpi ne, %sign3A_20, %sign3A_27 : i32
    %rem3A = arith.remsi %get3A_14, %jit3A : i32
    %ne3A_28 = arith.constant 0 : i32
    %ne3A_29 = arith.cmpi ne, %rem3A, %ne3A_28 : i32
    %and3A = arith.andi %ne3A, %ne3A_29 : i1
    %sub3A = arith.constant 1 : i32
    %sub3A_30 = arith.subi %div3A, %sub3A : i32
    %select_n3A = arith.select %and3A, %sub3A_30, %div3A : i32
    %jit3A_31 = arith.constant 7 : i32
    %eq3A = arith.constant 0 : i32
    %eq3A_32 = arith.cmpi eq, %jit3A_31, %eq3A : i32
    %jit3A_33 = arith.constant 1 : i32
    %select_n3A_34 = arith.select %eq3A_32, %jit3A_33, %jit3A_31 : i32
    %rem3A_35 = arith.remsi %get3A_14, %select_n3A_34 : i32
    %ne3A_36 = arith.constant 0 : i32
    %ne3A_37 = arith.cmpi ne, %rem3A_35, %ne3A_36 : i32
    %lt3A = arith.constant 0 : i32
    %lt3A_38 = arith.cmpi slt, %rem3A_35, %lt3A : i32
    %lt3A_39 = arith.constant 0 : i32
    %lt3A_40 = arith.cmpi slt, %select_n3A_34, %lt3A_39 : i32
    %ne3A_41 = arith.xori %lt3A_38, %lt3A_40 : i1
    %and3A_42 = arith.andi %ne3A_41, %ne3A_37 : i1
    %add3A_43 = arith.addi %rem3A_35, %select_n3A_34 : i32
    %select_n3A_44 = arith.select %and3A_42, %add3A_43, %rem3A_35 : i32
    %get3A_45 = arith.constant 0 : index
    %get3A_46 = arith.index_cast %select_n3A : i32 to index
    %get3A_47 = arith.constant 0 : index
    %get3A_48 = arith.index_cast %select_n3A_44 : i32 to index
    %get3A_49 = arith.constant 0 : index
    %get3A_50 = arith.constant 0 : index
    %get3A_51 = vector.load %arg5[%get3A_45, %get3A_46, %get3A_47, %get3A_48, %get3A_49, %get3A_50] : memref<1x7x8x7x8x192xf32, #tpu.memory_space<vmem>>, vector<1x1x8x1x8x192xf32>
    %get3A_52 = vector.shape_cast %get3A_51 : vector<1x1x8x1x8x192xf32> to vector<8x8x192xf32>
    %reshape3A_53 = vector.shape_cast %get3A_52 : vector<8x8x192xf32> to vector<64x192xf32>
    %get3A_54 = arith.constant 0 : index
    %get3A_55 = arith.index_cast %select_n3A : i32 to index
    %get3A_56 = arith.constant 0 : index
    %get3A_57 = arith.index_cast %select_n3A_44 : i32 to index
    %get3A_58 = arith.constant 0 : index
    %get3A_59 = arith.constant 0 : index
    %get3A_60 = vector.load %arg6[%get3A_54, %get3A_55, %get3A_56, %get3A_57, %get3A_58, %get3A_59] : memref<1x7x8x7x8x192xf32, #tpu.memory_space<vmem>>, vector<1x1x8x1x8x192xf32>
    %get3A_61 = vector.shape_cast %get3A_60 : vector<1x1x8x1x8x192xf32> to vector<8x8x192xf32>
    %reshape3A_62 = vector.shape_cast %get3A_61 : vector<8x8x192xf32> to vector<64x192xf32>
    %get3A_63 = arith.index_cast %arg0 : i32 to index
    %get3A_64 = arith.index_cast %add3A : i32 to index
    %get3A_65 = arith.constant 1 : index
    %get3A_66 = memref.load %arg3[%get3A_63, %get3A_64, %get3A_65] : memref<16x49x4xi32, #tpu.memory_space<smem>>
    %jit3A_67 = arith.constant 7 : i32
    %div3A_68 = arith.divsi %get3A_66, %jit3A_67 : i32
    %sign3A_69 = arith.constant 0 : i32
    %sign3A_70 = arith.cmpi sgt, %get3A_66, %sign3A_69 : i32
    %sign3A_71 = arith.extui %sign3A_70 : i1 to i32
    %sign3A_72 = arith.constant 0 : i32
    %sign3A_73 = arith.cmpi slt, %get3A_66, %sign3A_72 : i32
    %sign3A_74 = arith.extui %sign3A_73 : i1 to i32
    %sign3A_75 = arith.subi %sign3A_71, %sign3A_74 : i32
    %sign3A_76 = arith.constant 0 : i32
    %sign3A_77 = arith.cmpi sgt, %jit3A_67, %sign3A_76 : i32
    %sign3A_78 = arith.extui %sign3A_77 : i1 to i32
    %sign3A_79 = arith.constant 0 : i32
    %sign3A_80 = arith.cmpi slt, %jit3A_67, %sign3A_79 : i32
    %sign3A_81 = arith.extui %sign3A_80 : i1 to i32
    %sign3A_82 = arith.subi %sign3A_78, %sign3A_81 : i32
    %ne3A_83 = arith.cmpi ne, %sign3A_75, %sign3A_82 : i32
    %rem3A_84 = arith.remsi %get3A_66, %jit3A_67 : i32
    %ne3A_85 = arith.constant 0 : i32
    %ne3A_86 = arith.cmpi ne, %rem3A_84, %ne3A_85 : i32
    %and3A_87 = arith.andi %ne3A_83, %ne3A_86 : i1
    %sub3A_88 = arith.constant 1 : i32
    %sub3A_89 = arith.subi %div3A_68, %sub3A_88 : i32
    %select_n3A_90 = arith.select %and3A_87, %sub3A_89, %div3A_68 : i32
    %jit3A_91 = arith.constant 7 : i32
    %eq3A_92 = arith.constant 0 : i32
    %eq3A_93 = arith.cmpi eq, %jit3A_91, %eq3A_92 : i32
    %jit3A_94 = arith.constant 1 : i32
    %select_n3A_95 = arith.select %eq3A_93, %jit3A_94, %jit3A_91 : i32
    %rem3A_96 = arith.remsi %get3A_66, %select_n3A_95 : i32
    %ne3A_97 = arith.constant 0 : i32
    %ne3A_98 = arith.cmpi ne, %rem3A_96, %ne3A_97 : i32
    %lt3A_99 = arith.constant 0 : i32
    %lt3A_100 = arith.cmpi slt, %rem3A_96, %lt3A_99 : i32
    %lt3A_101 = arith.constant 0 : i32
    %lt3A_102 = arith.cmpi slt, %select_n3A_95, %lt3A_101 : i32
    %ne3A_103 = arith.xori %lt3A_100, %lt3A_102 : i1
    %and3A_104 = arith.andi %ne3A_103, %ne3A_98 : i1
    %add3A_105 = arith.addi %rem3A_96, %select_n3A_95 : i32
    %select_n3A_106 = arith.select %and3A_104, %add3A_105, %rem3A_96 : i32
    %get3A_107 = arith.constant 0 : index
    %get3A_108 = arith.index_cast %select_n3A_90 : i32 to index
    %get3A_109 = arith.constant 0 : index
    %get3A_110 = arith.index_cast %select_n3A_106 : i32 to index
    %get3A_111 = arith.constant 0 : index
    %get3A_112 = arith.constant 0 : index
    %get3A_113 = vector.load %arg5[%get3A_107, %get3A_108, %get3A_109, %get3A_110, %get3A_111, %get3A_112] : memref<1x7x8x7x8x192xf32, #tpu.memory_space<vmem>>, vector<1x1x8x1x8x192xf32>
    %get3A_114 = vector.shape_cast %get3A_113 : vector<1x1x8x1x8x192xf32> to vector<8x8x192xf32>
    %reshape3A_115 = vector.shape_cast %get3A_114 : vector<8x8x192xf32> to vector<64x192xf32>
    %get3A_116 = arith.constant 0 : index
    %get3A_117 = arith.index_cast %select_n3A_90 : i32 to index
    %get3A_118 = arith.constant 0 : index
    %get3A_119 = arith.index_cast %select_n3A_106 : i32 to index
    %get3A_120 = arith.constant 0 : index
    %get3A_121 = arith.constant 0 : index
    %get3A_122 = vector.load %arg6[%get3A_116, %get3A_117, %get3A_118, %get3A_119, %get3A_120, %get3A_121] : memref<1x7x8x7x8x192xf32, #tpu.memory_space<vmem>>, vector<1x1x8x1x8x192xf32>
    %get3A_123 = vector.shape_cast %get3A_122 : vector<1x1x8x1x8x192xf32> to vector<8x8x192xf32>
    %reshape3A_124 = vector.shape_cast %get3A_123 : vector<8x8x192xf32> to vector<64x192xf32>
    %get3A_125 = arith.index_cast %arg0 : i32 to index
    %get3A_126 = arith.index_cast %add3A : i32 to index
    %get3A_127 = arith.constant 2 : index
    %get3A_128 = memref.load %arg3[%get3A_125, %get3A_126, %get3A_127] : memref<16x49x4xi32, #tpu.memory_space<smem>>
    %jit3A_129 = arith.constant 7 : i32
    %div3A_130 = arith.divsi %get3A_128, %jit3A_129 : i32
    %sign3A_131 = arith.constant 0 : i32
    %sign3A_132 = arith.cmpi sgt, %get3A_128, %sign3A_131 : i32
    %sign3A_133 = arith.extui %sign3A_132 : i1 to i32
    %sign3A_134 = arith.constant 0 : i32
    %sign3A_135 = arith.cmpi slt, %get3A_128, %sign3A_134 : i32
    %sign3A_136 = arith.extui %sign3A_135 : i1 to i32
    %sign3A_137 = arith.subi %sign3A_133, %sign3A_136 : i32
    %sign3A_138 = arith.constant 0 : i32
    %sign3A_139 = arith.cmpi sgt, %jit3A_129, %sign3A_138 : i32
    %sign3A_140 = arith.extui %sign3A_139 : i1 to i32
    %sign3A_141 = arith.constant 0 : i32
    %sign3A_142 = arith.cmpi slt, %jit3A_129, %sign3A_141 : i32
    %sign3A_143 = arith.extui %sign3A_142 : i1 to i32
    %sign3A_144 = arith.subi %sign3A_140, %sign3A_143 : i32
    %ne3A_145 = arith.cmpi ne, %sign3A_137, %sign3A_144 : i32
    %rem3A_146 = arith.remsi %get3A_128, %jit3A_129 : i32
    %ne3A_147 = arith.constant 0 : i32
    %ne3A_148 = arith.cmpi ne, %rem3A_146, %ne3A_147 : i32
    %and3A_149 = arith.andi %ne3A_145, %ne3A_148 : i1
    %sub3A_150 = arith.constant 1 : i32
    %sub3A_151 = arith.subi %div3A_130, %sub3A_150 : i32
    %select_n3A_152 = arith.select %and3A_149, %sub3A_151, %div3A_130 : i32
    %jit3A_153 = arith.constant 7 : i32
    %eq3A_154 = arith.constant 0 : i32
    %eq3A_155 = arith.cmpi eq, %jit3A_153, %eq3A_154 : i32
    %jit3A_156 = arith.constant 1 : i32
    %select_n3A_157 = arith.select %eq3A_155, %jit3A_156, %jit3A_153 : i32
    %rem3A_158 = arith.remsi %get3A_128, %select_n3A_157 : i32
    %ne3A_159 = arith.constant 0 : i32
    %ne3A_160 = arith.cmpi ne, %rem3A_158, %ne3A_159 : i32
    %lt3A_161 = arith.constant 0 : i32
    %lt3A_162 = arith.cmpi slt, %rem3A_158, %lt3A_161 : i32
    %lt3A_163 = arith.constant 0 : i32
    %lt3A_164 = arith.cmpi slt, %select_n3A_157, %lt3A_163 : i32
    %ne3A_165 = arith.xori %lt3A_162, %lt3A_164 : i1
    %and3A_166 = arith.andi %ne3A_165, %ne3A_160 : i1
    %add3A_167 = arith.addi %rem3A_158, %select_n3A_157 : i32
    %select_n3A_168 = arith.select %and3A_166, %add3A_167, %rem3A_158 : i32
    %get3A_169 = arith.constant 0 : index
    %get3A_170 = arith.index_cast %select_n3A_152 : i32 to index
    %get3A_171 = arith.constant 0 : index
    %get3A_172 = arith.index_cast %select_n3A_168 : i32 to index
    %get3A_173 = arith.constant 0 : index
    %get3A_174 = arith.constant 0 : index
    %get3A_175 = vector.load %arg5[%get3A_169, %get3A_170, %get3A_171, %get3A_172, %get3A_173, %get3A_174] : memref<1x7x8x7x8x192xf32, #tpu.memory_space<vmem>>, vector<1x1x8x1x8x192xf32>
    %get3A_176 = vector.shape_cast %get3A_175 : vector<1x1x8x1x8x192xf32> to vector<8x8x192xf32>
    %reshape3A_177 = vector.shape_cast %get3A_176 : vector<8x8x192xf32> to vector<64x192xf32>
    %get3A_178 = arith.constant 0 : index
    %get3A_179 = arith.index_cast %select_n3A_152 : i32 to index
    %get3A_180 = arith.constant 0 : index
    %get3A_181 = arith.index_cast %select_n3A_168 : i32 to index
    %get3A_182 = arith.constant 0 : index
    %get3A_183 = arith.constant 0 : index
    %get3A_184 = vector.load %arg6[%get3A_178, %get3A_179, %get3A_180, %get3A_181, %get3A_182, %get3A_183] : memref<1x7x8x7x8x192xf32, #tpu.memory_space<vmem>>, vector<1x1x8x1x8x192xf32>
    %get3A_185 = vector.shape_cast %get3A_184 : vector<1x1x8x1x8x192xf32> to vector<8x8x192xf32>
    %reshape3A_186 = vector.shape_cast %get3A_185 : vector<8x8x192xf32> to vector<64x192xf32>
    %get3A_187 = arith.index_cast %arg0 : i32 to index
    %get3A_188 = arith.index_cast %add3A : i32 to index
    %get3A_189 = arith.constant 3 : index
    %get3A_190 = memref.load %arg3[%get3A_187, %get3A_188, %get3A_189] : memref<16x49x4xi32, #tpu.memory_space<smem>>
    %jit3A_191 = arith.constant 7 : i32
    %div3A_192 = arith.divsi %get3A_190, %jit3A_191 : i32
    %sign3A_193 = arith.constant 0 : i32
    %sign3A_194 = arith.cmpi sgt, %get3A_190, %sign3A_193 : i32
    %sign3A_195 = arith.extui %sign3A_194 : i1 to i32
    %sign3A_196 = arith.constant 0 : i32
    %sign3A_197 = arith.cmpi slt, %get3A_190, %sign3A_196 : i32
    %sign3A_198 = arith.extui %sign3A_197 : i1 to i32
    %sign3A_199 = arith.subi %sign3A_195, %sign3A_198 : i32
    %sign3A_200 = arith.constant 0 : i32
    %sign3A_201 = arith.cmpi sgt, %jit3A_191, %sign3A_200 : i32
    %sign3A_202 = arith.extui %sign3A_201 : i1 to i32
    %sign3A_203 = arith.constant 0 : i32
    %sign3A_204 = arith.cmpi slt, %jit3A_191, %sign3A_203 : i32
    %sign3A_205 = arith.extui %sign3A_204 : i1 to i32
    %sign3A_206 = arith.subi %sign3A_202, %sign3A_205 : i32
    %ne3A_207 = arith.cmpi ne, %sign3A_199, %sign3A_206 : i32
    %rem3A_208 = arith.remsi %get3A_190, %jit3A_191 : i32
    %ne3A_209 = arith.constant 0 : i32
    %ne3A_210 = arith.cmpi ne, %rem3A_208, %ne3A_209 : i32
    %and3A_211 = arith.andi %ne3A_207, %ne3A_210 : i1
    %sub3A_212 = arith.constant 1 : i32
    %sub3A_213 = arith.subi %div3A_192, %sub3A_212 : i32
    %select_n3A_214 = arith.select %and3A_211, %sub3A_213, %div3A_192 : i32
    %jit3A_215 = arith.constant 7 : i32
    %eq3A_216 = arith.constant 0 : i32
    %eq3A_217 = arith.cmpi eq, %jit3A_215, %eq3A_216 : i32
    %jit3A_218 = arith.constant 1 : i32
    %select_n3A_219 = arith.select %eq3A_217, %jit3A_218, %jit3A_215 : i32
    %rem3A_220 = arith.remsi %get3A_190, %select_n3A_219 : i32
    %ne3A_221 = arith.constant 0 : i32
    %ne3A_222 = arith.cmpi ne, %rem3A_220, %ne3A_221 : i32
    %lt3A_223 = arith.constant 0 : i32
    %lt3A_224 = arith.cmpi slt, %rem3A_220, %lt3A_223 : i32
    %lt3A_225 = arith.constant 0 : i32
    %lt3A_226 = arith.cmpi slt, %select_n3A_219, %lt3A_225 : i32
    %ne3A_227 = arith.xori %lt3A_224, %lt3A_226 : i1
    %and3A_228 = arith.andi %ne3A_227, %ne3A_222 : i1
    %add3A_229 = arith.addi %rem3A_220, %select_n3A_219 : i32
    %select_n3A_230 = arith.select %and3A_228, %add3A_229, %rem3A_220 : i32
    %get3A_231 = arith.constant 0 : index
    %get3A_232 = arith.index_cast %select_n3A_214 : i32 to index
    %get3A_233 = arith.constant 0 : index
    %get3A_234 = arith.index_cast %select_n3A_230 : i32 to index
    %get3A_235 = arith.constant 0 : index
    %get3A_236 = arith.constant 0 : index
    %get3A_237 = vector.load %arg5[%get3A_231, %get3A_232, %get3A_233, %get3A_234, %get3A_235, %get3A_236] : memref<1x7x8x7x8x192xf32, #tpu.memory_space<vmem>>, vector<1x1x8x1x8x192xf32>
    %get3A_238 = vector.shape_cast %get3A_237 : vector<1x1x8x1x8x192xf32> to vector<8x8x192xf32>
    %reshape3A_239 = vector.shape_cast %get3A_238 : vector<8x8x192xf32> to vector<64x192xf32>
    %get3A_240 = arith.constant 0 : index
    %get3A_241 = arith.index_cast %select_n3A_214 : i32 to index
    %get3A_242 = arith.constant 0 : index
    %get3A_243 = arith.index_cast %select_n3A_230 : i32 to index
    %get3A_244 = arith.constant 0 : index
    %get3A_245 = arith.constant 0 : index
    %get3A_246 = vector.load %arg6[%get3A_240, %get3A_241, %get3A_242, %get3A_243, %get3A_244, %get3A_245] : memref<1x7x8x7x8x192xf32, #tpu.memory_space<vmem>>, vector<1x1x8x1x8x192xf32>
    %get3A_247 = vector.shape_cast %get3A_246 : vector<1x1x8x1x8x192xf32> to vector<8x8x192xf32>
    %reshape3A_248 = vector.shape_cast %get3A_247 : vector<8x8x192xf32> to vector<64x192xf32>
    %concatenate3A = tpu.concatenate %reshape3A_53, %reshape3A_115, %reshape3A_177, %reshape3A_239 in 0 : vector<64x192xf32>, vector<64x192xf32>, vector<64x192xf32>, vector<64x192xf32> -> vector<256x192xf32>
    %concatenate3A_249 = tpu.concatenate %reshape3A_62, %reshape3A_124, %reshape3A_186, %reshape3A_248 in 0 : vector<64x192xf32>, vector<64x192xf32>, vector<64x192xf32>, vector<64x192xf32> -> vector<256x192xf32>
    %concatenate3A_250 = tpu.concatenate %mul3A_10, %mul3A_10, %mul3A_10, %mul3A_10, %mul3A_10, %mul3A_10, %mul3A_10, %mul3A_10 in 0 : vector<64x192xf32>, vector<64x192xf32>, vector<64x192xf32>, vector<64x192xf32>, vector<64x192xf32>, vector<64x192xf32>, vector<64x192xf32>, vector<64x192xf32> -> vector<512x192xf32>
    %iota3A = tpu.iota {dimensions = array<i32: 0>} : vector<512x192xi32>
    %iota3A_251 = tpu.iota {dimensions = array<i32: 1>} : vector<512x192xi32>
    %jit3A_252 = arith.constant 64 : i32
    %div3A_253 = vector.broadcast %jit3A_252 : i32 to vector<512x192xi32>
    %div3A_254 = arith.divsi %iota3A, %div3A_253 : vector<512x192xi32>
    %sign3A_255 = arith.constant 0 : i32
    %sign3A_256 = vector.broadcast %sign3A_255 : i32 to vector<512x192xi32>
    %sign3A_257 = arith.cmpi sgt, %iota3A, %sign3A_256 : vector<512x192xi32>
    %sign3A_258 = arith.extui %sign3A_257 : vector<512x192xi1> to vector<512x192xi32>
    %sign3A_259 = arith.constant 0 : i32
    %sign3A_260 = vector.broadcast %sign3A_259 : i32 to vector<512x192xi32>
    %sign3A_261 = arith.cmpi slt, %iota3A, %sign3A_260 : vector<512x192xi32>
    %sign3A_262 = arith.extui %sign3A_261 : vector<512x192xi1> to vector<512x192xi32>
    %sign3A_263 = arith.subi %sign3A_258, %sign3A_262 : vector<512x192xi32>
    %sign3A_264 = arith.constant 0 : i32
    %sign3A_265 = arith.cmpi sgt, %jit3A_252, %sign3A_264 : i32
    %sign3A_266 = arith.extui %sign3A_265 : i1 to i32
    %sign3A_267 = arith.constant 0 : i32
    %sign3A_268 = arith.cmpi slt, %jit3A_252, %sign3A_267 : i32
    %sign3A_269 = arith.extui %sign3A_268 : i1 to i32
    %sign3A_270 = arith.subi %sign3A_266, %sign3A_269 : i32
    %ne3A_271 = vector.broadcast %sign3A_270 : i32 to vector<512x192xi32>
    %ne3A_272 = arith.cmpi ne, %sign3A_263, %ne3A_271 : vector<512x192xi32>
    %rem3A_273 = vector.broadcast %jit3A_252 : i32 to vector<512x192xi32>
    %rem3A_274 = arith.remsi %iota3A, %rem3A_273 : vector<512x192xi32>
    %ne3A_275 = arith.constant 0 : i32
    %ne3A_276 = vector.broadcast %ne3A_275 : i32 to vector<512x192xi32>
    %ne3A_277 = arith.cmpi ne, %rem3A_274, %ne3A_276 : vector<512x192xi32>
    %and3A_278 = arith.andi %ne3A_272, %ne3A_277 : vector<512x192xi1>
    %sub3A_279 = arith.constant 1 : i32
    %sub3A_280 = vector.broadcast %sub3A_279 : i32 to vector<512x192xi32>
    %sub3A_281 = arith.subi %div3A_254, %sub3A_280 : vector<512x192xi32>
    %select_n3A_282 = arith.select %and3A_278, %sub3A_281, %div3A_254 : vector<512x192xi1>, vector<512x192xi32>
    %jit3A_283 = arith.constant 24 : i32
    %div3A_284 = vector.broadcast %jit3A_283 : i32 to vector<512x192xi32>
    %div3A_285 = arith.divsi %iota3A_251, %div3A_284 : vector<512x192xi32>
    %sign3A_286 = arith.constant 0 : i32
    %sign3A_287 = vector.broadcast %sign3A_286 : i32 to vector<512x192xi32>
    %sign3A_288 = arith.cmpi sgt, %iota3A_251, %sign3A_287 : vector<512x192xi32>
    %sign3A_289 = arith.extui %sign3A_288 : vector<512x192xi1> to vector<512x192xi32>
    %sign3A_290 = arith.constant 0 : i32
    %sign3A_291 = vector.broadcast %sign3A_290 : i32 to vector<512x192xi32>
    %sign3A_292 = arith.cmpi slt, %iota3A_251, %sign3A_291 : vector<512x192xi32>
    %sign3A_293 = arith.extui %sign3A_292 : vector<512x192xi1> to vector<512x192xi32>
    %sign3A_294 = arith.subi %sign3A_289, %sign3A_293 : vector<512x192xi32>
    %sign3A_295 = arith.constant 0 : i32
    %sign3A_296 = arith.cmpi sgt, %jit3A_283, %sign3A_295 : i32
    %sign3A_297 = arith.extui %sign3A_296 : i1 to i32
    %sign3A_298 = arith.constant 0 : i32
    %sign3A_299 = arith.cmpi slt, %jit3A_283, %sign3A_298 : i32
    %sign3A_300 = arith.extui %sign3A_299 : i1 to i32
    %sign3A_301 = arith.subi %sign3A_297, %sign3A_300 : i32
    %ne3A_302 = vector.broadcast %sign3A_301 : i32 to vector<512x192xi32>
    %ne3A_303 = arith.cmpi ne, %sign3A_294, %ne3A_302 : vector<512x192xi32>
    %rem3A_304 = vector.broadcast %jit3A_283 : i32 to vector<512x192xi32>
    %rem3A_305 = arith.remsi %iota3A_251, %rem3A_304 : vector<512x192xi32>
    %ne3A_306 = arith.constant 0 : i32
    %ne3A_307 = vector.broadcast %ne3A_306 : i32 to vector<512x192xi32>
    %ne3A_308 = arith.cmpi ne, %rem3A_305, %ne3A_307 : vector<512x192xi32>
    %and3A_309 = arith.andi %ne3A_303, %ne3A_308 : vector<512x192xi1>
    %sub3A_310 = arith.constant 1 : i32
    %sub3A_311 = vector.broadcast %sub3A_310 : i32 to vector<512x192xi32>
    %sub3A_312 = arith.subi %div3A_285, %sub3A_311 : vector<512x192xi32>
    %select_n3A_313 = arith.select %and3A_309, %sub3A_312, %div3A_285 : vector<512x192xi1>, vector<512x192xi32>
    %eq3A_314 = arith.cmpi eq, %select_n3A_282, %select_n3A_313 : vector<512x192xi32>
    %jit3A_315 = arith.constant 0.000000e+00 : f32
    %broadcast_in_dim3A = vector.broadcast %jit3A_315 : f32 to vector<512x192xf32>
    %select_n3A_316 = arith.select %eq3A_314, %concatenate3A_250, %broadcast_in_dim3A : vector<512x192xi1>, vector<512x192xf32>
    %dot_general3A = arith.constant dense<0.000000e+00> : vector<512x256xf32>
    %dot_general3A_317 = tpu.matmul %select_n3A_316, %concatenate3A, %dot_general3A {dimension_numbers = #tpu.dot_dimension_numbers<[1], [1], [0], [0], [0, 0, 1, 0], [], []>, transpose_lhs_hint = false} : vector<512x192xf32>, vector<256x192xf32>, vector<512x256xf32> -> vector<512x256xf32>
    %reduce_max3A = arith.constant dense<0xFF800000> : vector<512xf32>
    %reduce_max3A_318 = vector.multi_reduction <maximumf>, %dot_general3A_317, %reduce_max3A [1] : vector<512x256xf32> to vector<512xf32>
    %broadcast_in_dim3A_319 = vector.shape_cast %reduce_max3A_318 : vector<512xf32> to vector<512x1xf32>
    %sub3A_320 = vector.broadcast %broadcast_in_dim3A_319 : vector<512x1xf32> to vector<512x256xf32>
    %sub3A_321 = arith.subf %dot_general3A_317, %sub3A_320 : vector<512x256xf32>
    %exp3A = math.exp %sub3A_321 : vector<512x256xf32>
    %reduce_sum3A = arith.constant dense<0.000000e+00> : vector<512xf32>
    %reduce_sum3A_322 = vector.multi_reduction <add>, %exp3A, %reduce_sum3A [1] : vector<512x256xf32> to vector<512xf32>
    %broadcast_in_dim3A_323 = vector.shape_cast %reduce_sum3A_322 : vector<512xf32> to vector<512x1xf32>
    %div3A_324 = vector.broadcast %broadcast_in_dim3A_323 : vector<512x1xf32> to vector<512x256xf32>
    %div3A_325 = arith.divf %exp3A, %div3A_324 : vector<512x256xf32>
    %dot_general3A_326 = arith.constant dense<0.000000e+00> : vector<512x192xf32>
    %dot_general3A_327 = tpu.matmul %div3A_325, %concatenate3A_249, %dot_general3A_326 {dimension_numbers = #tpu.dot_dimension_numbers<[1], [0], [0], [1], [0, 0, 1, 1], [], []>, transpose_lhs_hint = false} : vector<512x256xf32>, vector<256x192xf32>, vector<512x192xf32> -> vector<512x192xf32>
    %slice3A = vector.extract_strided_slice %iota3A_251 {offsets = [0, 0], sizes = [64, 192], strides = [1, 1]} : vector<512x192xi32> to vector<64x192xi32>
    %jit3A_328 = arith.constant 24 : i32
    %div3A_329 = vector.broadcast %jit3A_328 : i32 to vector<64x192xi32>
    %div3A_330 = arith.divsi %slice3A, %div3A_329 : vector<64x192xi32>
    %sign3A_331 = arith.constant 0 : i32
    %sign3A_332 = vector.broadcast %sign3A_331 : i32 to vector<64x192xi32>
    %sign3A_333 = arith.cmpi sgt, %slice3A, %sign3A_332 : vector<64x192xi32>
    %sign3A_334 = arith.extui %sign3A_333 : vector<64x192xi1> to vector<64x192xi32>
    %sign3A_335 = arith.constant 0 : i32
    %sign3A_336 = vector.broadcast %sign3A_335 : i32 to vector<64x192xi32>
    %sign3A_337 = arith.cmpi slt, %slice3A, %sign3A_336 : vector<64x192xi32>
    %sign3A_338 = arith.extui %sign3A_337 : vector<64x192xi1> to vector<64x192xi32>
    %sign3A_339 = arith.subi %sign3A_334, %sign3A_338 : vector<64x192xi32>
    %sign3A_340 = arith.constant 0 : i32
    %sign3A_341 = arith.cmpi sgt, %jit3A_328, %sign3A_340 : i32
    %sign3A_342 = arith.extui %sign3A_341 : i1 to i32
    %sign3A_343 = arith.constant 0 : i32
    %sign3A_344 = arith.cmpi slt, %jit3A_328, %sign3A_343 : i32
    %sign3A_345 = arith.extui %sign3A_344 : i1 to i32
    %sign3A_346 = arith.subi %sign3A_342, %sign3A_345 : i32
    %ne3A_347 = vector.broadcast %sign3A_346 : i32 to vector<64x192xi32>
    %ne3A_348 = arith.cmpi ne, %sign3A_339, %ne3A_347 : vector<64x192xi32>
    %rem3A_349 = vector.broadcast %jit3A_328 : i32 to vector<64x192xi32>
    %rem3A_350 = arith.remsi %slice3A, %rem3A_349 : vector<64x192xi32>
    %ne3A_351 = arith.constant 0 : i32
    %ne3A_352 = vector.broadcast %ne3A_351 : i32 to vector<64x192xi32>
    %ne3A_353 = arith.cmpi ne, %rem3A_350, %ne3A_352 : vector<64x192xi32>
    %and3A_354 = arith.andi %ne3A_348, %ne3A_353 : vector<64x192xi1>
    %sub3A_355 = arith.constant 1 : i32
    %sub3A_356 = vector.broadcast %sub3A_355 : i32 to vector<64x192xi32>
    %sub3A_357 = arith.subi %div3A_330, %sub3A_356 : vector<64x192xi32>
    %select_n3A_358 = arith.select %and3A_354, %sub3A_357, %div3A_330 : vector<64x192xi1>, vector<64x192xi32>
    %broadcast_in_dim3A_359 = arith.constant 0.000000e+00 : f32
    %broadcast_in_dim3A_360 = vector.broadcast %broadcast_in_dim3A_359 : f32 to vector<64x192xf32>
    %eq3A_361 = arith.constant 0 : i32
    %eq3A_362 = vector.broadcast %eq3A_361 : i32 to vector<64x192xi32>
    %eq3A_363 = arith.cmpi eq, %select_n3A_358, %eq3A_362 : vector<64x192xi32>
    %slice3A_364 = vector.extract_strided_slice %dot_general3A_327 {offsets = [0, 0], sizes = [64, 192], strides = [1, 1]} : vector<512x192xf32> to vector<64x192xf32>
    %jit3A_365 = arith.constant 0.000000e+00 : f32
    %broadcast_in_dim3A_366 = vector.broadcast %jit3A_365 : f32 to vector<64x192xf32>
    %select_n3A_367 = arith.select %eq3A_363, %slice3A_364, %broadcast_in_dim3A_366 : vector<64x192xi1>, vector<64x192xf32>
    %add3A_368 = arith.addf %broadcast_in_dim3A_360, %select_n3A_367 : vector<64x192xf32>
    %eq3A_369 = arith.constant 1 : i32
    %eq3A_370 = vector.broadcast %eq3A_369 : i32 to vector<64x192xi32>
    %eq3A_371 = arith.cmpi eq, %select_n3A_358, %eq3A_370 : vector<64x192xi32>
    %slice3A_372 = vector.extract_strided_slice %dot_general3A_327 {offsets = [64, 0], sizes = [64, 192], strides = [1, 1]} : vector<512x192xf32> to vector<64x192xf32>
    %jit3A_373 = arith.constant 0.000000e+00 : f32
    %broadcast_in_dim3A_374 = vector.broadcast %jit3A_373 : f32 to vector<64x192xf32>
    %select_n3A_375 = arith.select %eq3A_371, %slice3A_372, %broadcast_in_dim3A_374 : vector<64x192xi1>, vector<64x192xf32>
    %add3A_376 = arith.addf %add3A_368, %select_n3A_375 : vector<64x192xf32>
    %eq3A_377 = arith.constant 2 : i32
    %eq3A_378 = vector.broadcast %eq3A_377 : i32 to vector<64x192xi32>
    %eq3A_379 = arith.cmpi eq, %select_n3A_358, %eq3A_378 : vector<64x192xi32>
    %slice3A_380 = vector.extract_strided_slice %dot_general3A_327 {offsets = [128, 0], sizes = [64, 192], strides = [1, 1]} : vector<512x192xf32> to vector<64x192xf32>
    %jit3A_381 = arith.constant 0.000000e+00 : f32
    %broadcast_in_dim3A_382 = vector.broadcast %jit3A_381 : f32 to vector<64x192xf32>
    %select_n3A_383 = arith.select %eq3A_379, %slice3A_380, %broadcast_in_dim3A_382 : vector<64x192xi1>, vector<64x192xf32>
    %add3A_384 = arith.addf %add3A_376, %select_n3A_383 : vector<64x192xf32>
    %eq3A_385 = arith.constant 3 : i32
    %eq3A_386 = vector.broadcast %eq3A_385 : i32 to vector<64x192xi32>
    %eq3A_387 = arith.cmpi eq, %select_n3A_358, %eq3A_386 : vector<64x192xi32>
    %slice3A_388 = vector.extract_strided_slice %dot_general3A_327 {offsets = [192, 0], sizes = [64, 192], strides = [1, 1]} : vector<512x192xf32> to vector<64x192xf32>
    %jit3A_389 = arith.constant 0.000000e+00 : f32
    %broadcast_in_dim3A_390 = vector.broadcast %jit3A_389 : f32 to vector<64x192xf32>
    %select_n3A_391 = arith.select %eq3A_387, %slice3A_388, %broadcast_in_dim3A_390 : vector<64x192xi1>, vector<64x192xf32>
    %add3A_392 = arith.addf %add3A_384, %select_n3A_391 : vector<64x192xf32>
    %eq3A_393 = arith.constant 4 : i32
    %eq3A_394 = vector.broadcast %eq3A_393 : i32 to vector<64x192xi32>
    %eq3A_395 = arith.cmpi eq, %select_n3A_358, %eq3A_394 : vector<64x192xi32>
    %slice3A_396 = vector.extract_strided_slice %dot_general3A_327 {offsets = [256, 0], sizes = [64, 192], strides = [1, 1]} : vector<512x192xf32> to vector<64x192xf32>
    %jit3A_397 = arith.constant 0.000000e+00 : f32
    %broadcast_in_dim3A_398 = vector.broadcast %jit3A_397 : f32 to vector<64x192xf32>
    %select_n3A_399 = arith.select %eq3A_395, %slice3A_396, %broadcast_in_dim3A_398 : vector<64x192xi1>, vector<64x192xf32>
    %add3A_400 = arith.addf %add3A_392, %select_n3A_399 : vector<64x192xf32>
    %eq3A_401 = arith.constant 5 : i32
    %eq3A_402 = vector.broadcast %eq3A_401 : i32 to vector<64x192xi32>
    %eq3A_403 = arith.cmpi eq, %select_n3A_358, %eq3A_402 : vector<64x192xi32>
    %slice3A_404 = vector.extract_strided_slice %dot_general3A_327 {offsets = [320, 0], sizes = [64, 192], strides = [1, 1]} : vector<512x192xf32> to vector<64x192xf32>
    %jit3A_405 = arith.constant 0.000000e+00 : f32
    %broadcast_in_dim3A_406 = vector.broadcast %jit3A_405 : f32 to vector<64x192xf32>
    %select_n3A_407 = arith.select %eq3A_403, %slice3A_404, %broadcast_in_dim3A_406 : vector<64x192xi1>, vector<64x192xf32>
    %add3A_408 = arith.addf %add3A_400, %select_n3A_407 : vector<64x192xf32>
    %eq3A_409 = arith.constant 6 : i32
    %eq3A_410 = vector.broadcast %eq3A_409 : i32 to vector<64x192xi32>
    %eq3A_411 = arith.cmpi eq, %select_n3A_358, %eq3A_410 : vector<64x192xi32>
    %slice3A_412 = vector.extract_strided_slice %dot_general3A_327 {offsets = [384, 0], sizes = [64, 192], strides = [1, 1]} : vector<512x192xf32> to vector<64x192xf32>
    %jit3A_413 = arith.constant 0.000000e+00 : f32
    %broadcast_in_dim3A_414 = vector.broadcast %jit3A_413 : f32 to vector<64x192xf32>
    %select_n3A_415 = arith.select %eq3A_411, %slice3A_412, %broadcast_in_dim3A_414 : vector<64x192xi1>, vector<64x192xf32>
    %add3A_416 = arith.addf %add3A_408, %select_n3A_415 : vector<64x192xf32>
    %eq3A_417 = arith.constant 7 : i32
    %eq3A_418 = vector.broadcast %eq3A_417 : i32 to vector<64x192xi32>
    %eq3A_419 = arith.cmpi eq, %select_n3A_358, %eq3A_418 : vector<64x192xi32>
    %slice3A_420 = vector.extract_strided_slice %dot_general3A_327 {offsets = [448, 0], sizes = [64, 192], strides = [1, 1]} : vector<512x192xf32> to vector<64x192xf32>
    %jit3A_421 = arith.constant 0.000000e+00 : f32
    %broadcast_in_dim3A_422 = vector.broadcast %jit3A_421 : f32 to vector<64x192xf32>
    %select_n3A_423 = arith.select %eq3A_419, %slice3A_420, %broadcast_in_dim3A_422 : vector<64x192xi1>, vector<64x192xf32>
    %add3A_424 = arith.addf %add3A_416, %select_n3A_423 : vector<64x192xf32>
    %reshape3A_425 = vector.shape_cast %add3A_424 : vector<64x192xf32> to vector<8x8x192xf32>
    %swap3A = arith.constant 0 : index
    %swap3A_426 = arith.constant 0 : index
    %swap3A_427 = arith.constant 0 : index
    %swap3A_428 = arith.constant 0 : index
    %swap3A_429 = arith.constant 0 : index
    %swap3A_430 = arith.constant 0 : index
    %swap3A_431 = vector.load %arg7[%swap3A, %swap3A_426, %swap3A_427, %swap3A_428, %swap3A_429, %swap3A_430] : memref<1x1x8x1x8x192xf32, #tpu.memory_space<vmem>>, vector<1x1x8x1x8x192xf32>
    %swap3A_432 = vector.shape_cast %swap3A_431 : vector<1x1x8x1x8x192xf32> to vector<8x8x192xf32>
    %swap3A_433 = vector.shape_cast %reshape3A_425 : vector<8x8x192xf32> to vector<1x1x8x1x8x192xf32>
    tpu.vector_store %arg7[%swap3A, %swap3A_426, %swap3A_427, %swap3A_428, %swap3A_429, %swap3A_430], %swap3A_433 {strides = array<i32>} : memref<1x1x8x1x8x192xf32, #tpu.memory_space<vmem>>, vector<1x1x8x1x8x192xf32>,
    return
  }
  func.func @transform_0(%arg0: i32, %arg1: i32, %arg2: i32, %arg3: memref<16x49x4xi32, #tpu.memory_space<smem>>) -> (i32, i32, i32, i32, i32, i32) {
    %c0_i32 = arith.constant 0 : i32
    %c0_i32_0 = arith.constant 0 : i32
    %c0_i32_1 = arith.constant 0 : i32
    %c0_i32_2 = arith.constant 0 : i32
    return %arg0, %arg1, %c0_i32, %arg2, %c0_i32_0, %c0_i32_1 : i32, i32, i32, i32, i32, i32
  }
  func.func @transform_1(%arg0: i32, %arg1: i32, %arg2: i32, %arg3: memref<16x49x4xi32, #tpu.memory_space<smem>>) -> (i32, i32, i32, i32, i32, i32) {
    %c0_i32 = arith.constant 0 : i32
    %c0_i32_0 = arith.constant 0 : i32
    %c0_i32_1 = arith.constant 0 : i32
    %c0_i32_2 = arith.constant 0 : i32
    %c0_i32_3 = arith.constant 0 : i32
    %c0_i32_4 = arith.constant 0 : i32
    return %arg0, %c0_i32, %c0_i32_0, %c0_i32_1, %c0_i32_2, %c0_i32_3 : i32, i32, i32, i32, i32, i32
  }
  func.func @transform_2(%arg0: i32, %arg1: i32, %arg2: i32, %arg3: memref<16x49x4xi32, #tpu.memory_space<smem>>) -> (i32, i32, i32, i32, i32, i32) {
    %c0_i32 = arith.constant 0 : i32
    %c0_i32_0 = arith.constant 0 : i32
    %c0_i32_1 = arith.constant 0 : i32
    %c0_i32_2 = arith.constant 0 : i32
    %c0_i32_3 = arith.constant 0 : i32
    %c0_i32_4 = arith.constant 0 : i32
    return %arg0, %c0_i32, %c0_i32_0, %c0_i32_1, %c0_i32_2, %c0_i32_3 : i32, i32, i32, i32, i32, i32
  }
  func.func @transform_3(%arg0: i32, %arg1: i32, %arg2: i32, %arg3: memref<16x49x4xi32, #tpu.memory_space<smem>>) -> (i32, i32, i32, i32, i32, i32) {
    %c0_i32 = arith.constant 0 : i32
    %c0_i32_0 = arith.constant 0 : i32
    %c0_i32_1 = arith.constant 0 : i32
    %c0_i32_2 = arith.constant 0 : i32
    return %arg0, %arg1, %c0_i32, %arg2, %c0_i32_0, %c0_i32_1 : i32, i32, i32, i32, i32, i32
  }
}

module attributes {stable_mosaic.version = 14 : i64} {
  func.func @_out_kernel(%arg0: i32, %arg1: memref<1x56x56x192xf32, #tpu.memory_space<vmem>>, %arg2: memref<1x58x58x192xf32, #tpu.memory_space<vmem>>, %arg3: memref<9x192xf32, #tpu.memory_space<vmem>>, %arg4: memref<1x192xf32, #tpu.memory_space<vmem>>, %arg5: memref<192x192xf32, #tpu.memory_space<vmem>>, %arg6: memref<1x192xf32, #tpu.memory_space<vmem>>, %arg7: memref<1x56x56x192xf32, #tpu.memory_space<vmem>>) attributes {dimension_semantics = [#tpu.dimension_semantics<parallel>], iteration_bounds = array<i64: 16>, scalar_prefetch = 0 : i64, scratch_operands = 0 : i64, tpu.core_type = #tpu.core_type<tc>, window_params = [{transform_indices = @transform_0, window_bounds = array<i64: 1, 56, 56, 192>}, {transform_indices = @transform_1, window_bounds = array<i64: 1, 58, 58, 192>}, {pipeline_mode = #tpu.pipeline_mode<synchronous>, transform_indices = @transform_2, window_bounds = array<i64: 9, 192>}, {pipeline_mode = #tpu.pipeline_mode<synchronous>, transform_indices = @transform_3, window_bounds = array<i64: 1, 192>}, {pipeline_mode = #tpu.pipeline_mode<synchronous>, transform_indices = @transform_4, window_bounds = array<i64: 192, 192>}, {pipeline_mode = #tpu.pipeline_mode<synchronous>, transform_indices = @transform_5, window_bounds = array<i64: 1, 192>}, {transform_indices = @transform_6, window_bounds = array<i64: 1, 56, 56, 192>}]} {
    %get3A = arith.constant 0 : index
    %get3A_0 = arith.constant 0 : index
    %get3A_1 = arith.constant 0 : index
    %get3A_2 = arith.constant 0 : index
    %get3A_3 = vector.load %arg1[%get3A, %get3A_0, %get3A_1, %get3A_2] : memref<1x56x56x192xf32, #tpu.memory_space<vmem>>, vector<1x56x56x192xf32>
    %get3A_4 = vector.shape_cast %get3A_3 : vector<1x56x56x192xf32> to vector<56x56x192xf32>
    %get3A_5 = arith.constant 0 : index
    %get3A_6 = arith.constant 0 : index
    %get3A_7 = vector.load %arg3[%get3A_5, %get3A_6] : memref<9x192xf32, #tpu.memory_space<vmem>>, vector<9x192xf32>
    %get3A_8 = arith.constant 0 : index
    %get3A_9 = arith.constant 0 : index
    %get3A_10 = arith.constant 0 : index
    %get3A_11 = arith.constant 0 : index
    %get3A_12 = vector.load %arg2[%get3A_8, %get3A_9, %get3A_10, %get3A_11] : memref<1x58x58x192xf32, #tpu.memory_space<vmem>>, vector<1x58x56x192xf32>
    %get3A_13 = vector.shape_cast %get3A_12 : vector<1x58x56x192xf32> to vector<58x56x192xf32>
    %slice3A = vector.extract_strided_slice %get3A_13 {offsets = [0, 0, 0], sizes = [56, 56, 192], strides = [1, 1, 1]} : vector<58x56x192xf32> to vector<56x56x192xf32>
    %slice3A_14 = vector.extract_strided_slice %get3A_7 {offsets = [0, 0], sizes = [1, 192], strides = [1, 1]} : vector<9x192xf32> to vector<1x192xf32>
    %squeeze3A = vector.shape_cast %slice3A_14 : vector<1x192xf32> to vector<192xf32>
    %broadcast_in_dim3A = vector.shape_cast %squeeze3A : vector<192xf32> to vector<1x1x192xf32>
    %mul3A = vector.broadcast %broadcast_in_dim3A : vector<1x1x192xf32> to vector<56x56x192xf32>
    %mul3A_15 = arith.mulf %slice3A, %mul3A : vector<56x56x192xf32>
    %add3A = arith.addf %get3A_4, %mul3A_15 : vector<56x56x192xf32>
    %slice3A_16 = vector.extract_strided_slice %get3A_13 {offsets = [1, 0, 0], sizes = [56, 56, 192], strides = [1, 1, 1]} : vector<58x56x192xf32> to vector<56x56x192xf32>
    %slice3A_17 = vector.extract_strided_slice %get3A_7 {offsets = [3, 0], sizes = [1, 192], strides = [1, 1]} : vector<9x192xf32> to vector<1x192xf32>
    %squeeze3A_18 = vector.shape_cast %slice3A_17 : vector<1x192xf32> to vector<192xf32>
    %broadcast_in_dim3A_19 = vector.shape_cast %squeeze3A_18 : vector<192xf32> to vector<1x1x192xf32>
    %mul3A_20 = vector.broadcast %broadcast_in_dim3A_19 : vector<1x1x192xf32> to vector<56x56x192xf32>
    %mul3A_21 = arith.mulf %slice3A_16, %mul3A_20 : vector<56x56x192xf32>
    %add3A_22 = arith.addf %add3A, %mul3A_21 : vector<56x56x192xf32>
    %slice3A_23 = vector.extract_strided_slice %get3A_13 {offsets = [2, 0, 0], sizes = [56, 56, 192], strides = [1, 1, 1]} : vector<58x56x192xf32> to vector<56x56x192xf32>
    %slice3A_24 = vector.extract_strided_slice %get3A_7 {offsets = [6, 0], sizes = [1, 192], strides = [1, 1]} : vector<9x192xf32> to vector<1x192xf32>
    %squeeze3A_25 = vector.shape_cast %slice3A_24 : vector<1x192xf32> to vector<192xf32>
    %broadcast_in_dim3A_26 = vector.shape_cast %squeeze3A_25 : vector<192xf32> to vector<1x1x192xf32>
    %mul3A_27 = vector.broadcast %broadcast_in_dim3A_26 : vector<1x1x192xf32> to vector<56x56x192xf32>
    %mul3A_28 = arith.mulf %slice3A_23, %mul3A_27 : vector<56x56x192xf32>
    %add3A_29 = arith.addf %add3A_22, %mul3A_28 : vector<56x56x192xf32>
    %get3A_30 = arith.constant 0 : index
    %get3A_31 = arith.constant 0 : index
    %get3A_32 = arith.constant 1 : index
    %get3A_33 = arith.constant 0 : index
    %get3A_34 = vector.load %arg2[%get3A_30, %get3A_31, %get3A_32, %get3A_33] : memref<1x58x58x192xf32, #tpu.memory_space<vmem>>, vector<1x58x56x192xf32>
    %get3A_35 = vector.shape_cast %get3A_34 : vector<1x58x56x192xf32> to vector<58x56x192xf32>
    %slice3A_36 = vector.extract_strided_slice %get3A_35 {offsets = [0, 0, 0], sizes = [56, 56, 192], strides = [1, 1, 1]} : vector<58x56x192xf32> to vector<56x56x192xf32>
    %slice3A_37 = vector.extract_strided_slice %get3A_7 {offsets = [1, 0], sizes = [1, 192], strides = [1, 1]} : vector<9x192xf32> to vector<1x192xf32>
    %squeeze3A_38 = vector.shape_cast %slice3A_37 : vector<1x192xf32> to vector<192xf32>
    %broadcast_in_dim3A_39 = vector.shape_cast %squeeze3A_38 : vector<192xf32> to vector<1x1x192xf32>
    %mul3A_40 = vector.broadcast %broadcast_in_dim3A_39 : vector<1x1x192xf32> to vector<56x56x192xf32>
    %mul3A_41 = arith.mulf %slice3A_36, %mul3A_40 : vector<56x56x192xf32>
    %add3A_42 = arith.addf %add3A_29, %mul3A_41 : vector<56x56x192xf32>
    %slice3A_43 = vector.extract_strided_slice %get3A_35 {offsets = [1, 0, 0], sizes = [56, 56, 192], strides = [1, 1, 1]} : vector<58x56x192xf32> to vector<56x56x192xf32>
    %slice3A_44 = vector.extract_strided_slice %get3A_7 {offsets = [4, 0], sizes = [1, 192], strides = [1, 1]} : vector<9x192xf32> to vector<1x192xf32>
    %squeeze3A_45 = vector.shape_cast %slice3A_44 : vector<1x192xf32> to vector<192xf32>
    %broadcast_in_dim3A_46 = vector.shape_cast %squeeze3A_45 : vector<192xf32> to vector<1x1x192xf32>
    %mul3A_47 = vector.broadcast %broadcast_in_dim3A_46 : vector<1x1x192xf32> to vector<56x56x192xf32>
    %mul3A_48 = arith.mulf %slice3A_43, %mul3A_47 : vector<56x56x192xf32>
    %add3A_49 = arith.addf %add3A_42, %mul3A_48 : vector<56x56x192xf32>
    %slice3A_50 = vector.extract_strided_slice %get3A_35 {offsets = [2, 0, 0], sizes = [56, 56, 192], strides = [1, 1, 1]} : vector<58x56x192xf32> to vector<56x56x192xf32>
    %slice3A_51 = vector.extract_strided_slice %get3A_7 {offsets = [7, 0], sizes = [1, 192], strides = [1, 1]} : vector<9x192xf32> to vector<1x192xf32>
    %squeeze3A_52 = vector.shape_cast %slice3A_51 : vector<1x192xf32> to vector<192xf32>
    %broadcast_in_dim3A_53 = vector.shape_cast %squeeze3A_52 : vector<192xf32> to vector<1x1x192xf32>
    %mul3A_54 = vector.broadcast %broadcast_in_dim3A_53 : vector<1x1x192xf32> to vector<56x56x192xf32>
    %mul3A_55 = arith.mulf %slice3A_50, %mul3A_54 : vector<56x56x192xf32>
    %add3A_56 = arith.addf %add3A_49, %mul3A_55 : vector<56x56x192xf32>
    %get3A_57 = arith.constant 0 : index
    %get3A_58 = arith.constant 0 : index
    %get3A_59 = arith.constant 2 : index
    %get3A_60 = arith.constant 0 : index
    %get3A_61 = vector.load %arg2[%get3A_57, %get3A_58, %get3A_59, %get3A_60] : memref<1x58x58x192xf32, #tpu.memory_space<vmem>>, vector<1x58x56x192xf32>
    %get3A_62 = vector.shape_cast %get3A_61 : vector<1x58x56x192xf32> to vector<58x56x192xf32>
    %slice3A_63 = vector.extract_strided_slice %get3A_62 {offsets = [0, 0, 0], sizes = [56, 56, 192], strides = [1, 1, 1]} : vector<58x56x192xf32> to vector<56x56x192xf32>
    %slice3A_64 = vector.extract_strided_slice %get3A_7 {offsets = [2, 0], sizes = [1, 192], strides = [1, 1]} : vector<9x192xf32> to vector<1x192xf32>
    %squeeze3A_65 = vector.shape_cast %slice3A_64 : vector<1x192xf32> to vector<192xf32>
    %broadcast_in_dim3A_66 = vector.shape_cast %squeeze3A_65 : vector<192xf32> to vector<1x1x192xf32>
    %mul3A_67 = vector.broadcast %broadcast_in_dim3A_66 : vector<1x1x192xf32> to vector<56x56x192xf32>
    %mul3A_68 = arith.mulf %slice3A_63, %mul3A_67 : vector<56x56x192xf32>
    %add3A_69 = arith.addf %add3A_56, %mul3A_68 : vector<56x56x192xf32>
    %slice3A_70 = vector.extract_strided_slice %get3A_62 {offsets = [1, 0, 0], sizes = [56, 56, 192], strides = [1, 1, 1]} : vector<58x56x192xf32> to vector<56x56x192xf32>
    %slice3A_71 = vector.extract_strided_slice %get3A_7 {offsets = [5, 0], sizes = [1, 192], strides = [1, 1]} : vector<9x192xf32> to vector<1x192xf32>
    %squeeze3A_72 = vector.shape_cast %slice3A_71 : vector<1x192xf32> to vector<192xf32>
    %broadcast_in_dim3A_73 = vector.shape_cast %squeeze3A_72 : vector<192xf32> to vector<1x1x192xf32>
    %mul3A_74 = vector.broadcast %broadcast_in_dim3A_73 : vector<1x1x192xf32> to vector<56x56x192xf32>
    %mul3A_75 = arith.mulf %slice3A_70, %mul3A_74 : vector<56x56x192xf32>
    %add3A_76 = arith.addf %add3A_69, %mul3A_75 : vector<56x56x192xf32>
    %slice3A_77 = vector.extract_strided_slice %get3A_62 {offsets = [2, 0, 0], sizes = [56, 56, 192], strides = [1, 1, 1]} : vector<58x56x192xf32> to vector<56x56x192xf32>
    %slice3A_78 = vector.extract_strided_slice %get3A_7 {offsets = [8, 0], sizes = [1, 192], strides = [1, 1]} : vector<9x192xf32> to vector<1x192xf32>
    %squeeze3A_79 = vector.shape_cast %slice3A_78 : vector<1x192xf32> to vector<192xf32>
    %broadcast_in_dim3A_80 = vector.shape_cast %squeeze3A_79 : vector<192xf32> to vector<1x1x192xf32>
    %mul3A_81 = vector.broadcast %broadcast_in_dim3A_80 : vector<1x1x192xf32> to vector<56x56x192xf32>
    %mul3A_82 = arith.mulf %slice3A_77, %mul3A_81 : vector<56x56x192xf32>
    %add3A_83 = arith.addf %add3A_76, %mul3A_82 : vector<56x56x192xf32>
    %get3A_84 = arith.constant 0 : index
    %get3A_85 = arith.constant 0 : index
    %get3A_86 = vector.load %arg4[%get3A_84, %get3A_85] : memref<1x192xf32, #tpu.memory_space<vmem>>, vector<1x192xf32>
    %broadcast_in_dim3A_87 = vector.shape_cast %get3A_86 : vector<1x192xf32> to vector<1x1x192xf32>
    %add3A_88 = vector.broadcast %broadcast_in_dim3A_87 : vector<1x1x192xf32> to vector<56x56x192xf32>
    %add3A_89 = arith.addf %add3A_83, %add3A_88 : vector<56x56x192xf32>
    %reshape3A = vector.shape_cast %add3A_89 : vector<56x56x192xf32> to vector<3136x192xf32>
    %get3A_90 = arith.constant 0 : index
    %get3A_91 = arith.constant 0 : index
    %get3A_92 = vector.load %arg5[%get3A_90, %get3A_91] : memref<192x192xf32, #tpu.memory_space<vmem>>, vector<192x192xf32>
    %dot_general3A = arith.constant dense<0.000000e+00> : vector<3136x192xf32>
    %dot_general3A_93 = tpu.matmul %reshape3A, %get3A_92, %dot_general3A {dimension_numbers = #tpu.dot_dimension_numbers<[1], [0], [0], [1], [0, 0, 1, 1], [], []>, transpose_lhs_hint = false} : vector<3136x192xf32>, vector<192x192xf32>, vector<3136x192xf32> -> vector<3136x192xf32>
    %get3A_94 = arith.constant 0 : index
    %get3A_95 = arith.constant 0 : index
    %get3A_96 = vector.load %arg6[%get3A_94, %get3A_95] : memref<1x192xf32, #tpu.memory_space<vmem>>, vector<1x192xf32>
    %add3A_97 = vector.broadcast %get3A_96 : vector<1x192xf32> to vector<3136x192xf32>
    %add3A_98 = arith.addf %dot_general3A_93, %add3A_97 : vector<3136x192xf32>
    %reshape3A_99 = vector.shape_cast %add3A_98 : vector<3136x192xf32> to vector<56x56x192xf32>
    %swap3A = arith.constant 0 : index
    %swap3A_100 = arith.constant 0 : index
    %swap3A_101 = arith.constant 0 : index
    %swap3A_102 = arith.constant 0 : index
    %swap3A_103 = vector.load %arg7[%swap3A, %swap3A_100, %swap3A_101, %swap3A_102] : memref<1x56x56x192xf32, #tpu.memory_space<vmem>>, vector<1x56x56x192xf32>
    %swap3A_104 = vector.shape_cast %swap3A_103 : vector<1x56x56x192xf32> to vector<56x56x192xf32>
    %swap3A_105 = vector.shape_cast %reshape3A_99 : vector<56x56x192xf32> to vector<1x56x56x192xf32>
    tpu.vector_store %arg7[%swap3A, %swap3A_100, %swap3A_101, %swap3A_102], %swap3A_105 {strides = array<i32>} : memref<1x56x56x192xf32, #tpu.memory_space<vmem>>, vector<1x56x56x192xf32>,
    return
  }
  func.func @transform_0(%arg0: i32) -> (i32, i32, i32, i32) {
    %c0_i32 = arith.constant 0 : i32
    %c0_i32_0 = arith.constant 0 : i32
    %c0_i32_1 = arith.constant 0 : i32
    %c0_i32_2 = arith.constant 0 : i32
    return %arg0, %c0_i32, %c0_i32_0, %c0_i32_1 : i32, i32, i32, i32
  }
  func.func @transform_1(%arg0: i32) -> (i32, i32, i32, i32) {
    %c0_i32 = arith.constant 0 : i32
    %c0_i32_0 = arith.constant 0 : i32
    %c0_i32_1 = arith.constant 0 : i32
    %c0_i32_2 = arith.constant 0 : i32
    return %arg0, %c0_i32, %c0_i32_0, %c0_i32_1 : i32, i32, i32, i32
  }
  func.func @transform_2(%arg0: i32) -> (i32, i32) {
    %c0_i32 = arith.constant 0 : i32
    %c0_i32_0 = arith.constant 0 : i32
    %c0_i32_1 = arith.constant 0 : i32
    return %c0_i32, %c0_i32_0 : i32, i32
  }
  func.func @transform_3(%arg0: i32) -> (i32, i32) {
    %c0_i32 = arith.constant 0 : i32
    %c0_i32_0 = arith.constant 0 : i32
    %c0_i32_1 = arith.constant 0 : i32
    return %c0_i32, %c0_i32_0 : i32, i32
  }
  func.func @transform_4(%arg0: i32) -> (i32, i32) {
    %c0_i32 = arith.constant 0 : i32
    %c0_i32_0 = arith.constant 0 : i32
    %c0_i32_1 = arith.constant 0 : i32
    return %c0_i32, %c0_i32_0 : i32, i32
  }
  func.func @transform_5(%arg0: i32) -> (i32, i32) {
    %c0_i32 = arith.constant 0 : i32
    %c0_i32_0 = arith.constant 0 : i32
    %c0_i32_1 = arith.constant 0 : i32
    return %c0_i32, %c0_i32_0 : i32, i32
  }
  func.func @transform_6(%arg0: i32) -> (i32, i32, i32, i32) {
    %c0_i32 = arith.constant 0 : i32
    %c0_i32_0 = arith.constant 0 : i32
    %c0_i32_1 = arith.constant 0 : i32
    %c0_i32_2 = arith.constant 0 : i32
    return %arg0, %c0_i32, %c0_i32_0, %c0_i32_1 : i32, i32, i32, i32
  }
}

</mosaic_0001>

<sc_bundles>
// kernel: sparse-core-data-format-call.cloned.1.call-start
scs
called_computation_lowered:
.L_overlay_start_0:
0x0: {  	s2 =	sld [smem:$0x3FD9]  }
0x1: {  	s3 =	sld [smem:$0x3FFE];
	_ =	sdelay $0x1  }
0x2: {  	s1 =	srdreg.scid  }
0x3: {  	s0 =	sand.u32 $0x1, s1  }
0x4: {  	s18 =	sshll.u32 s0, $0xA;
	s2 =	sadd.s32 s3, s2  }
0x5: {  	s2 =	sadd.s32 s2, s18  }
0x6: {  	[smem:$0x3FC1] =	sst s2  }
0x7: {  	_ = 	snop  }
0x8: {  	s2 =	sld [smem:$0x3FC9];
	(tm) =	ssettm $0x1  }
0x9: {  	s19 =	sld [smem:$0x3FFB];
	_ =	sdelay $0x3  }
0xa: {  	_ =	strace s19  }
0xb: {  	s3 =	sld [smem:$0x3FFC];
	_ =	sdelay $0x3  }
0xc: {  	_ =	strace s3  }
0xd: {  	s3 =	sld [smem:$0x3FFD];
	_ =	sdelay $0x3  }
0xe: {  	_ =	strace s3  }
0xf: {  	_ =	strace $0x8FFFFFFF  }
0x10: {  	s20 =	sld [smem:$0x3FDB];
	_ =	sdelay $0x1  }
0x11: {  	s4 =	simm.s32 $_scs_section_size  }
0x12: {  	s5 =	simm.s32 $_size__tile_overlayer_lowered;
	s6 =	simm.s32 $_tile_overlayer_lowered  }
0x13: {  	s23 =	simm.s32 $0x1BFF;
	s22 =	sshll.u32 s6, $0x1;
	s3 =	sadd.s32 s4, s20  }
0x14: {  	s7 =	simm.s32 $0x0;
	s21 =	sshll.u32 s5, $0x1;
	s5 =	sadd.s32 s22, s3  }
0x15: {  	[timem:s7], [sflag:s23] =	dma.local [hbm:s5], s21  }
0x16: {  	_ =	swait.ge [sflag:s23], s21  }
0x17: {  	s4 =	ssub.s32 $0x0, s21;
	[sflag:s23] =	ssyncset.done $0x0  }
0x18: {  	[sflag:s23] =	ssyncadd.s32 s4;
	_ =	sdelay $0x1  }
0x19: {  	s24 =	simm.s32 $0x1B8B  }
0x1a: {  	_ =	swait.ge [sflag:s24], $0x1  }
0x1b: {  	[sflag:s24] =	ssyncset.done $0x0  }
0x1c: {  	s26 =	simm.s32 $0x1B8E;
	s25 =	sld [smem:$0x3FFE];
	[sflag:s24] =	ssyncadd.s32 $0xFFFFFFFF  }
0x1d: {  	s27 =	simm.s32 $execute0_lowered;
	[smem:$0x3FD2] =	sst s26  }
0x1e: {  	s5 =	sshll.u32 s27, $0x1;
	_ =	strace $0x80000046;
	[dreg:$0x1] =	wrdreg $0xFFFFFFFF  }
0x1f: {  	s28 =	simm.s32 $_size_execute0_lowered;
	s3 =	sadd.s32 s3, s5;
	[dreg:$0x0] =	wrdreg $0x0  }
0x20: {  	s5 =	sshll.u32 s28, $0x1;
	[dreg:$0x2] =	wrdreg s3  }
0x21: {  	[dreg:$0x3] =	wrdreg s5  }
0x22: {  	[dreg:$0x4] =	wrdreg $0xC0  }
0x23: {  	_ =	task [dreg:s7], $0x5FFFF  }
0x24: {  	[dreg:$0x1] =	wrdreg $0xFFFFFFFF  }
0x25: {  	[dreg:$0x0] =	wrdreg $0x60  }
0x26: {  	[dreg:$0x2] =	wrdreg s2  }
0x27: {  	[dreg:$0x3] =	wrdreg s25  }
0x28: {  	[dreg:$0x4] =	wrdreg $0x9  }
0x29: {  	_ =	task.clear_ibuf [dreg:s7], $0x5FFFF;
	_ =	strace $0x90000046  }
0x2a: {  	s29 =	simm.s32 $0x9;
	_ =	strace $0x80000048  }
0x2b: {  	_ =	swait.ge [sflag:s29], $0x1  }
0x2c: {  	[sflag:s29] =	ssyncadd.s32 $0xFFFFFFFF  }
0x2d: {  	_ =	strace $0x90000048  }
0x2e: {  	_ =	sfence  }
0x2f: {  	s30 =	sld [smem:$0x0];
	_ =	sdelay $0x2  }
0x30: {  	s31 =	sshll.u32 s1, $0xD;
	s1 =	sshrl.u32 s1, $0x2  }
0x31: {  	s3 =	sand.u32 $0x4000, s31;
	s1 =	sadd.s32 s1, s30  }
0x32: {  	s0 =	sor.u32 s3, s0;
	s1 =	sshll.u32 s1, $0x11  }
0x33: {  	s0 =	sor.u32 s1, s0  }
0x34: {  	s0 =	sadd.s32 $0x8F2B, s0  }
0x35: {  	[sflag:s0] =	ssyncadd.remote.s32 $0x1  }
0x36: {  	_ =	sfence.sel $0xFFFF  }
0x37: {  	[dreg:$0x0] =	wrdreg $0xFFFFFFFF;
	(pc) =	sbr.abs _section_cstart, $3  }
0x38: {  	[dreg:$0x1] =	wrdreg $0xFFFFFFFF  }
0x39: {  	_ =	task.clear_ibuf [dreg:s7], $0x2FFFF;
	_ =	strace $0x9FFFFFFF  }
0x3a: {  	(tm) =	ssettm $0x7FFFFFFF  }
0x3b: {  	_ =	shalt  }
tec
execute0_lowered:
.L_overlay_start_1:
0x0: {  	(tag) =	ssettag $0x1  }
0x1: {  	s0 =	rddreg [dreg:$0x1];
	_ =	strace $0x80000047;
	s30 =	srdreg.scid  }
0x2: {  	s8 =	stileid.u32;
	s1 =	simm.s32 $0x1;
	s31 =	simm.s32 $0x2  }
0x3: {  	s20 =	simm.s32 $0x0;
	s19 =	simm.s32 $0x0;
	s21 =	simm.s32 $0x0  }
0x4: {  	s22 =	simm.s32 $0x0;
	s10 =	simm.s32 $0x0;
	s11 =	simm.s32 $0x0  }
.Ltmp0:
0x5: {  	s13 =	simm.s32 $0x0;
	s15 =	simm.s32 $0x0;
	(pc) =	sbr.rel .LBB1_1-.Ltmp0, $4  }
0x6: {  	s14 =	simm.s32 $0x0;
	s17 =	simm.s32 $0x0;
	s0 =	sadd.s32 $0x1200, s0  }
0x7: {  	s18 =	stileid.u32;
	[dreg:$0x3] =	wrdreg s0;
	s0 =	sshll.u32 s30, $0x7  }
0x8: {  	s12 =	simm.s32 $0x0;
	[sflag:s1] =	ssyncpa.u1 $0x0;
	s9 =	sand.u32 $0x80, s0  }
0x9: {  	[sflag:s31] =	ssyncpa.u1 $0x0;
	s16 =	smov.u32 s9;
	[dreg:$0x4] =	wrdreg s9  }
.LBB1_18:
0xa: {  	s10 =	rddreg [dreg:$0x5]  }
0xb: {  	s11 =	rddreg [dreg:$0x6]  }
0xc: {  	s4 =	rddreg [dreg:$0x13]  }
0xd: {  	s5 =	rddreg [dreg:$0x14]  }
0xe: {  	s22 =	rddreg [dreg:$0x12]  }
0xf: {  	s15 =	rddreg [dreg:$0xa]  }
0x10: {  	s13 =	rddreg [dreg:$0x8]  }
0x11: {  	s26 =	rddreg [dreg:$0x3]  }
0x12: {  	s29 =	rddreg [dreg:$0x15]  }
0x13: {  	s9 =	rddreg [dreg:$0x4]  }
0x14: {  	s12 =	rddreg [dreg:$0x7]  }
0x15: {  	s14 =	rddreg [dreg:$0x9]  }
0x16: {  	s16 =	rddreg [dreg:$0xb]  }
0x17: {  	s17 =	rddreg [dreg:$0xc]  }
0x18: {  	s31 =	simm.s32 $0x1000;
	s18 =	rddreg [dreg:$0xd]  }
0x19: {  	s8 =	stileid.u32;
	s19 =	rddreg [dreg:$0xe];
	s0 =	sshll.u32 s10, $0x9  }
0x1a: {  	s1 =	sshll.u32 s11, $0x3;
	s2 =	sshll.u32 s10, $0x7;
	p0 =	sgt.s32 s11, $0x180  }
0x1b: {  	s3 =	smov.u32 s11;
	s23 =	sand.u32 $0x78, s11;
	s24 =	smul.u32 $0x15000, s15  }
0x1c: {  	s25 =	smul.u32 $0x3000, s13;
	s27 =	sand.u32 $0x7, s11;
	s0 =	sand.u32 $0xFFFFF000, s0  }
0x1d: {  	s1 =	sand.u32 $0xFFFFFC00, s1;
	s20 =	sand.u32 $0x200, s2;
	s3 =	simm.s32 @!p0 $0x180  }
0x1e: {  	p0 =	sgt.s32 s10, $0x40;
	s2 =	sand.u32 $0x180, s2;
	s28 =	sshll.u32 s27, $0x12  }
0x1f: {  	s0 =	sadd.s32 s1, s0;
	s1 =	smov.u32 s10;
	s3 =	sadd.s32 s4, s3  }
0x20: {  	s2 =	sor.u32 s23, s2;
	s30 =	sor.u32 $0x400, s28;
	s0 =	sor.u32 s20, s0  }
0x21: {  	s1 =	simm.s32 @!p0 $0x40;
	s4 =	sadd.s32 $0xFFFFFE80, s3;
	s0 =	sshrl.u32 s0, $0x9  }
0x22: {  	s3 =	ssub.s32 $0x200, s3;
	s2 =	sshrl.u32 s2, $0x3;
	s21 =	smulhi.u32 $0x1555556, s0  }
0x23: {  	s20 =	rddreg [dreg:$0xf];
	s1 =	sadd.s32 s5, s1;
	p0 =	sgt.s32 s4, $0x7F  }
0x24: {  	s5 =	sadd.s32 $0xFFFFFFC0, s1;
	s3 =	simm.s32 @p0 $0x0;
	s4 =	smul.u32 $0xC0, s21  }
0x25: {  	s1 =	ssub.s32 $0xC0, s1;
	p0 =	sgt.s32 s5, $0x7F;
	s3 =	smul.u32 s22, s3  }
0x26: {  	s1 =	simm.s32 @p0 $0x0;
	s0 =	ssub.s32 s0, s4;
	s4 =	sadd.s32 s26, s24  }
0x27: {  	s22 =	rddreg [dreg:$0x11];
	s1 =	smul.u32 s1, s3;
	s3 =	sadd.s32 s25, s4  }
0x28: {  	s21 =	rddreg [dreg:$0x10];
	s0 =	sshll.u32 s0, $0x6;
	s2 =	sadd.s32 s2, s3  }
0x29: {  	s1 =	sand.u32 $0x3FFFFFFF, s1;
	s4 =	sor.u32 $0x8000, s29;
	s0 =	sadd.s32 s0, s2  }
0x2a: {  	[hbm4b:s0+s30] =	stream.strided.scatter [tilespmem:s4], [sflag:$0x2], s1, s31, s30, $0x20;
	[tilespmem:$0x10100] =	vst v63  }
.LBB1_19:
0x2b: {  	p0 =	slt.u32 s12, $0x2  }
0x2c: {  	s0 =	smov.u32 s22;
	s2 =	smov.u32 s21;
	p1 =	sgt.s32 @!p0 s22, $0xF  }
0x2d: {  	s5 =	smov.u32 s16;
	s1 =	sshra.s32 @!p0 s22, $0x1F;
	p1 =	por !p1, p0  }
0x2e: {  	s12 =	sadd.s32 $0x1, s12;
	s1 =	sand.u32 @!p0 s1, s22;
	s0 =	simm.s32 @p1 $0xF  }
0x2f: {  	s3 =	sshra.s32 @!p0 s21, $0x1F;
	p1 =	sgt.s32 @!p0 s21, $0x6;
	s0 =	ssub.s32 @!p0 s0, s1  }
0x30: {  	s4 =	sshra.s32 @!p0 s19, $0x1F;
	p1 =	por !p1, p0;
	s1 =	sadd.s32 @!p0 $0xFFFFFFF1, s0  }
0x31: {  	s2 =	simm.s32 @p1 $0x6;
	s0 =	ssub.s32 @!p0 $0x10, s0;
	p2 =	sgt.s32 @!p0 s1, $0x0  }
0x32: {  	s1 =	sand.u32 @!p0 s3, s21;
	s3 =	sshra.s32 @!p0 s20, $0x1F;
	p1 =	por !p2, p0  }
0x33: {  	s1 =	ssub.s32 @!p0 s2, s1;
	p2 =	sgt.s32 @!p0 s20, $0x40;
	s3 =	sand.u32 @!p0 s3, s20  }
0x34: {  	s0 =	simm.s32 @!p1 $0x0;
	s2 =	sadd.s32 @!p0 $0xFFFFFFFA, s1;
	s1 =	ssub.s32 @!p0 $0x7, s1  }
0x35: {  	p2 =	por !p2, p0;
	p1 =	sgt.s32 @!p0 s2, $0x0;
	s2 =	smov.u32 s20  }
0x36: {  	p1 =	por !p1, p0;
	s2 =	simm.s32 @p2 $0x40;
	p2 =	sgt.s32 @!p0 s19, $0x180  }
0x37: {  	s2 =	ssub.s32 @!p0 s2, s3;
	p2 =	por !p2, p0;
	s3 =	smov.u32 s19  }
0x38: {  	s4 =	sand.u32 @!p0 s4, s19;
	s1 =	simm.s32 @!p1 $0x0;
	s3 =	simm.s32 @p2 $0x180  }
0x39: {  	s0 =	smul.u32 @!p0 s0, s1;
	s1 =	sadd.s32 @!p0 $0xFFFFFFC0, s2;
	s3 =	ssub.s32 @!p0 s3, s4  }
0x3a: {  	p1 =	sgt.s32 @!p0 s1, $0x7F;
	s1 =	ssub.s32 @!p0 $0xC0, s2;
	s2 =	sadd.s32 @!p0 $0xFFFFFE80, s3  }
0x3b: {  	p2 =	sgt.s32 @!p0 s2, $0x7F;
	s2 =	ssub.s32 @!p0 $0x200, s3;
	s3 =	sadd.s32 $0x80, s14  }
0x3c: {  	s4 =	sadd.s32 $0x100, s16;
	p2 =	por !p2, p0;
	p3 =	sgt.s32 s3, $0xBF  }
0x3d: {  	p1 =	por !p1, p0;
	s2 =	simm.s32 @!p2 $0x0;
	s5 =	smov.u32 @p3 s4  }
0x3e: {  	s0 =	smul.u32 @!p0 s2, s0;
	p2 =	sgt.s32 s5, $0x1BF;
	s2 =	simm.s32 $0x1  }
0x3f: {  	s22 =	smov.u32 s15;
	s1 =	simm.s32 @!p1 $0x0;
	s2 =	simm.s32 @!p2 $0x0  }
0x40: {  	s15 =	smov.u32 s18;
	s0 =	smul.u32 @!p0 s1, s0;
	s1 =	sadd.s32 s2, s17  }
0x41: {  	s4 =	smov.u32 s18;
	s2 =	sadd.s32 $0x10, s18;
	p1 =	sgt.s32 s1, $0x6  }
0x42: {  	s21 =	smov.u32 s13;
	s13 =	smov.u32 s17;
	s4 =	smov.u32 @p1 s2  }
0x43: {  	s20 =	smov.u32 s10;
	s1 =	simm.s32 @p1 $0x0;
	p1 =	sgt.s32 s4, $0xF  }
0x44: {  	s10 =	smov.u32 s14;
	s4 =	smov.u32 @p1 s8;
	p1 =	sne.s32 s12, $0x1E  }
.Ltmp1:
0x45: {  	s19 =	smov.u32 s11;
	s11 =	smov.u32 s16;
	(pc) =	sbr.rel @!p1 .LBB1_20-.Ltmp1, $4  }
0x46: {  	s3 =	simm.s32 @p3 $0x0;
	s0 =	sand.u32 @!p0 $0x3FFFFFFF, s0;
	s2 =	simm.s32 @!p0 $0x2  }
0x47: {  	s14 =	smov.u32 s3;
	s5 =	smov.u32 @p2 s9;
	_ =	swait.ge @!p0 [sflag:s2], s0  }
0x48: {  	s16 =	smov.u32 s5;
	s0 =	ssub.s32 @!p0 $0x0, s0;
	[sflag:s2] =	ssyncset.done @!p0 $0x0  }
0x49: {  	s17 =	smov.u32 s1;
	[sflag:s2] =	ssyncadd.s32 @!p0 s0;
	s18 =	smov.u32 s4  }
.LBB1_1:
0x4a: {  	p0 =	sgt.u32 s12, $0x1B  }
.Ltmp2:
0x4b: {  	_ = 	snop;
	(pc) =	sbr.rel @p0 .LBB1_3-.Ltmp2, $1  }
0x4c: {  	_ =	sdelay $0x3  }
0x4d: {  	s0 =	sand.u32 $0x78, s14;
	s1 =	sshll.u32 s16, $0x8;
	s2 =	sshll.u32 s14, $0x3  }
0x4e: {  	s3 =	sshll.u32 s16, $0x7;
	p0 =	sgt.s32 s18, $0xF;
	s26 =	sshra.s32 s18, $0x1F  }
0x4f: {  	s4 =	smov.u32 s17;
	s5 =	sshra.s32 s17, $0x1F;
	s29 =	sshra.s32 s16, $0x1F  }
0x50: {  	s31 =	sshra.s32 s14, $0x1F;
	s24 =	smul.u32 $0x18800, s18;
	s1 =	sand.u32 $0xFFFFF800, s1  }
0x51: {  	s2 =	sand.u32 $0xFFFFFC00, s2;
	s25 =	sand.u32 $0x300, s3;
	s3 =	sand.u32 $0x80, s3  }
0x52: {  	s27 =	sand.u32 s5, s17;
	s30 =	sand.u32 s29, s16;
	s1 =	sadd.s32 s1, s2  }
0x53: {  	s0 =	sor.u32 s0, s3;
	s2 =	smov.u32 s18;
	s3 =	sand.u32 s26, s18  }
0x54: {  	s1 =	sor.u32 s25, s1;
	s2 =	simm.s32 @!p0 $0xF;
	p0 =	sgt.s32 s17, $0x6  }
0x55: {  	s25 =	smul.u32 $0x3800, s17;
	s0 =	sshrl.u32 s0, $0x3;
	s1 =	sshrl.u32 s1, $0x8  }
0x56: {  	s2 =	ssub.s32 s2, s3;
	s4 =	simm.s32 @!p0 $0x6;
	s28 =	smulhi.u32 $0x924925, s1  }
0x57: {  	s6 =	sadd.s32 $0xFFFFFFF1, s2;
	s3 =	ssub.s32 s4, s27;
	s2 =	ssub.s32 $0x10, s2  }
0x58: {  	s27 =	rddreg [dreg:$0x0];
	p0 =	sgt.s32 s6, $0x0;
	s4 =	sadd.s32 $0xFFFFFFFA, s3  }
0x59: {  	s3 =	ssub.s32 $0x7, s3;
	s6 =	sand.u32 s31, s14;
	s31 =	simm.s32 $0x800  }
0x5a: {  	s2 =	simm.s32 @p0 $0x0;
	p0 =	sgt.s32 s4, $0x0;
	s4 =	smov.u32 s16  }
0x5b: {  	s5 =	smul.u32 $0x1C0, s28;
	s3 =	simm.s32 @p0 $0x0;
	p0 =	sgt.s32 s16, $0x140  }
0x5c: {  	s28 =	sand.u32 $0x7, s14;
	s2 =	smul.u32 s2, s3;
	s4 =	simm.s32 @!p0 $0x140  }
0x5d: {  	p0 =	sgt.s32 s14, $0x80;
	s3 =	ssub.s32 s4, s30;
	s4 =	smov.u32 s14  }
0x5e: {  	s29 =	sshll.u32 s28, $0x12;
	s7 =	sadd.s32 $0xFFFFFEC0, s3;
	s4 =	simm.s32 @!p0 $0x80  }
0x5f: {  	s3 =	ssub.s32 $0x1C0, s3;
	p0 =	sgt.s32 s7, $0x7F;
	s4 =	ssub.s32 s4, s6  }
0x60: {  	s1 =	ssub.s32 s1, s5;
	s3 =	simm.s32 @p0 $0x0;
	s23 =	sadd.s32 $0xFFFFFF80, s4  }
0x61: {  	s2 =	smul.u32 s3, s2;
	p0 =	sgt.s32 s23, $0x7F;
	s3 =	ssub.s32 $0x100, s4  }
0x62: {  	s1 =	sshll.u32 s1, $0x5;
	s4 =	sadd.s32 s27, s24;
	s3 =	simm.s32 @p0 $0x0  }
0x63: {  	s7 =	sxor.u32 $0xFFFFFFFF, s12;
	s4 =	sadd.s32 s25, s4;
	s2 =	smul.u32 s3, s2  }
0x64: {  	s30 =	sor.u32 $0x400, s29;
	s6 =	sshll.u32 s7, $0xE;
	s0 =	sadd.s32 s0, s4  }
0x65: {  	s26 =	sand.u32 $0x4000, s6;
	s0 =	sadd.s32 s1, s0;
	s2 =	sand.u32 $0x3FFFFFFF, s2  }
0x66: {  	[tilespmem:s26], [sflag:$0x1] =	stream.strided.gather [hbm4b:s0+s30], s2, s31, s30, $0x38;
	[tilespmem:$0x10100] =	vst v63  }
.LBB1_3:
0x67: {  	p0 =	seq.s32 s12, $0x0  }
0x68: {  	p1 =	seq.s32 @!p0 s12, $0x1D  }
0x69: {  	p0 =	por p0, p1  }
.Ltmp3:
0x6a: {  	_ = 	snop;
	(pc) =	sbr.rel @p0 .LBB1_19-.Ltmp3, $1  }
0x6b: {  	_ =	sdelay $0x3  }
0x6c: {  	[dreg:$0x11] =	wrdreg s22  }
0x6d: {  	[dreg:$0x10] =	wrdreg s21  }
0x6e: {  	[dreg:$0xf] =	wrdreg s20  }
0x6f: {  	[dreg:$0xe] =	wrdreg s19  }
0x70: {  	[dreg:$0xd] =	wrdreg s18  }
0x71: {  	[dreg:$0xc] =	wrdreg s17  }
0x72: {  	[dreg:$0xb] =	wrdreg s16  }
0x73: {  	[dreg:$0x9] =	wrdreg s14;
	p0 =	sgt.s32 s15, $0xF;
	s0 =	smov.u32 s15  }
0x74: {  	s1 =	sshra.s32 s15, $0x1F;
	s2 =	sshra.s32 s13, $0x1F;
	s19 =	ssub.s32 $0x0, s11  }
0x75: {  	s20 =	sshra.s32 s11, $0x1F;
	p1 =	sgt.s32 s11, $0x140;
	s4 =	smov.u32 s11  }
0x76: {  	s23 =	ssub.s32 $0x0, s10;
	s24 =	sshra.s32 s10, $0x1F;
	s0 =	simm.s32 @!p0 $0xF  }
0x77: {  	s1 =	sand.u32 s1, s15;
	p0 =	sgt.s32 s13, $0x6;
	s2 =	sand.u32 s2, s13  }
0x78: {  	s4 =	simm.s32 @!p1 $0x140;
	s0 =	ssub.s32 s0, s1;
	s1 =	smov.u32 s13  }
0x79: {  	s3 =	sadd.s32 $0xFFFFFFF1, s0;
	s1 =	simm.s32 @!p0 $0x6;
	s0 =	ssub.s32 $0x10, s0  }
0x7a: {  	p0 =	sgt.s32 s3, $0x0;
	s1 =	ssub.s32 s1, s2;
	s2 =	sand.u32 s19, s20  }
0x7b: {  	s3 =	smov.u32 s10;
	s5 =	sadd.s32 $0xFFFFFFFA, s1;
	s1 =	ssub.s32 $0x7, s1  }
0x7c: {  	[dreg:$0x13] =	wrdreg s2;
	s2 =	sadd.s32 s2, s4;
	s0 =	simm.s32 @p0 $0x0  }
0x7d: {  	p1 =	sgt.s32 s5, $0x0;
	s21 =	sadd.s32 $0xFFFFFEC0, s2;
	s2 =	ssub.s32 $0x1C0, s2  }
0x7e: {  	s1 =	simm.s32 @p1 $0x0;
	p0 =	sgt.s32 s21, $0x7F;
	p1 =	sgt.s32 s10, $0x80  }
0x7f: {  	s22 =	smul.u32 s0, s1;
	s0 =	sand.u32 s23, s24;
	s3 =	simm.s32 @!p1 $0x80  }
0x80: {  	s2 =	simm.s32 @p0 $0x0;
	[dreg:$0x14] =	wrdreg s0;
	s0 =	sadd.s32 s0, s3  }
0x81: {  	[dreg:$0x5] =	wrdreg s10;
	s25 =	smul.u32 s2, s22;
	s26 =	sadd.s32 $0xFFFFFF80, s0  }
0x82: {  	s0 =	ssub.s32 $0x100, s0;
	s2 =	sadd.s32 $0x1, s15;
	p0 =	sgt.s32 s26, $0x7F  }
0x83: {  	s3 =	sadd.s32 $0x1, s13;
	s0 =	simm.s32 @p0 $0x0;
	p0 =	slt.s32 s2, $0x10  }
0x84: {  	[dreg:$0xa] =	wrdreg s15;
	s2 =	simm.s32 @!p0 $0x10;
	p0 =	slt.s32 s3, $0x7  }
0x85: {  	s1 =	sadd.s32 $0x80, s11;
	s2 =	ssub.s32 s2, s15;
	s3 =	simm.s32 @!p0 $0x7  }
0x86: {  	p1 =	slt.s32 s1, $0x1C0;
	s3 =	ssub.s32 s3, s13;
	p0 =	slt.s32 s2, $0x1  }
0x87: {  	[dreg:$0x8] =	wrdreg s13;
	s1 =	simm.s32 @!p1 $0x1C0;
	p1 =	slt.s32 @!p0 s3, $0x1  }
0x88: {  	[dreg:$0x6] =	wrdreg s11;
	s27 =	ssub.s32 s1, s11;
	p1 =	por p0, p1  }
0x89: {  	[dreg:$0x7] =	wrdreg s12;
	p2 =	slt.s32 @!p1 s27, $0x1  }
0x8a: {  	[dreg:$0x12] =	wrdreg s22;
	s0 =	smul.u32 s0, s25;
	p1 =	por p1, p2  }
.Ltmp4:
0x8b: {  	s29 =	simm.s32 $0x1;
	[dreg:$0x16] =	wrdreg s2;
	(pc) =	sbr.rel @p1 .LBB1_18-.Ltmp4, $4  }
0x8c: {  	s28 =	sand.u32 $0x3FFFFFFF, s0;
	s0 =	sand.u32 $0x1, s12;
	[dreg:$0x17] =	wrdreg s3  }
0x8d: {  	s31 =	smul.u32 $0x4080, s0;
	_ =	swait.ge [sflag:s29], s28  }
0x8e: {  	s30 =	ssub.s32 $0x0, s28;
	[sflag:s29] =	ssyncset.done $0x0  }
0x8f: {  	[dreg:$0x15] =	wrdreg s31;
	[sflag:s29] =	ssyncadd.s32 s30  }
0x90: {  	s2 =	rddreg [dreg:$0x5]  }
0x91: {  	s1 =	sadd.s32 $0x80, s2  }
0x92: {  	p1 =	slt.s32 s1, $0xC0  }
.Ltmp5:
0x93: {  	s1 =	simm.s32 @!p1 $0xC0;
	(pc) =	sbr.rel .LBB1_6-.Ltmp5, $4  }
0x94: {  	s30 =	sshll.u32 @!p0 s0, $0xE;
	s0 =	rddreg [dreg:$0x15];
	s1 =	ssub.s32 s1, s2  }
0x95: {  	s31 =	sor.u32 @!p0 $0x8000, s0;
	s2 =	simm.s32 $0x0;
	s1 =	sadd.s32 $0xF, s1  }
0x96: {  	s28 =	sand.u32 $0xFFFFFFF0, s1;
	s29 =	sand.u32 @!p0 $0xFFFFFF00, s1;
	s26 =	sshll.u32 s1, $0x3  }
0x97: {  	p0 =	slt.s32 s1, $0x100;
	s0 =	sand.u32 $0xFFFFF800, s26;
	p1 =	sge.s32 s29, s28  }
.LBB1_17:
0x98: {  	s2 =	sadd.s32 $0x1, s2;
	s1 =	rddreg [dreg:$0x16]  }
0x99: {  	p2 =	sne.s32 s2, s1  }
.Ltmp6:
0x9a: {  	_ = 	snop;
	(pc) =	sbr.rel @!p2 .LBB1_18-.Ltmp6, $1  }
0x9b: {  	_ =	sdelay $0x3  }
.LBB1_6:
.Ltmp7:
0x9c: {  	(pc) =	sbr.rel .LBB1_7-.Ltmp7, $2  }
0x9d: {  	_ =	sdelay $0x2  }
0x9e: {  	s6 =	simm.s32 $0x0  }
.LBB1_16:
0x9f: {  	s6 =	sadd.s32 $0x1, s6;
	s1 =	rddreg [dreg:$0x17]  }
0xa0: {  	p2 =	sne.s32 s6, s1  }
.Ltmp8:
0xa1: {  	_ = 	snop;
	(pc) =	sbr.rel @!p2 .LBB1_17-.Ltmp8, $1  }
0xa2: {  	_ =	sdelay $0x3  }
.LBB1_7:
.Ltmp9:
0xa3: {  	s1 =	sadd.s32 s2, s6;
	(pc) =	sbr.rel .LBB1_8-.Ltmp9, $3  }
0xa4: {  	s3 =	sshll.u32 s1, $0x10;
	s1 =	smul.u32 $0x10200, s1;
	_ =	sdelay $0x1  }
0xa5: {  	s4 =	simm.s32 $0x400;
	s3 =	sshra.s32 s3, $0x2;
	s1 =	sshra.s32 s1, $0x2  }
0xa6: {  	s7 =	sadd.s32 s3, s30;
	s3 =	simm.s32 $0x0;
	s1 =	sadd.s32 s1, s31  }
.LBB1_15:
0xa7: {  	s3 =	sadd.s32 $0x1, s3  }
0xa8: {  	p2 =	sne.s32 s3, s27  }
.Ltmp10:
0xa9: {  	_ = 	snop;
	(pc) =	sbr.rel @!p2 .LBB1_16-.Ltmp10, $2  }
0xaa: {  	_ =	sdelay $0x2  }
0xab: {  	s4 =	sadd.s32 $0x80, s4  }
.LBB1_8:
.Ltmp11:
0xac: {  	(pc) =	sbr.rel @p0 .LBB1_12-.Ltmp11, $2  }
0xad: {  	_ =	sdelay $0x2  }
0xae: {  	s5 =	sshll.u32 s3, $0x7;
	s24 =	sand.u32 $0x7F, s3  }
0xaf: {  	s10 =	sshll.u32 s3, $0x3  }
0xb0: {  	s13 =	sand.u32 $0x380, s5;
	s8 =	sshrl.u32 s10, $0x7  }
0xb1: {  	s9 =	sadd.s32 $0x800, s10;
	s15 =	sadd.s32 $0x1000, s10;
	s18 =	sadd.s32 $0x1800, s10  }
0xb2: {  	s20 =	sadd.s32 $0x2800, s10;
	s26 =	sadd.s32 $0x3000, s10;
	s10 =	sadd.s32 $0x3800, s10  }
0xb3: {  	s11 =	sand.u32 $0x78, s8;
	s9 =	sshrl.u32 s9, $0x7;
	s17 =	sshrl.u32 s15, $0x7  }
0xb4: {  	s15 =	sshrl.u32 s18, $0x7;
	s25 =	sshrl.u32 s20, $0x7;
	s10 =	sshrl.u32 s10, $0x7  }
0xb5: {  	s20 =	sadd.s32 $0x10, s8;
	s12 =	smul.u32 $0x204, s11;
	s9 =	sand.u32 $0x78, s9  }
0xb6: {  	s19 =	sand.u32 $0x78, s15;
	s11 =	sxor.u32 $0x40, s11;
	s14 =	smul.u32 $0x204, s9  }
0xb7: {  	s15 =	sshrl.u32 s26, $0x7;
	s10 =	sand.u32 $0x78, s10;
	s11 =	smul.u32 $0x204, s11  }
0xb8: {  	s9 =	sadd.s32 s13, s7;
	s13 =	sand.u32 $0x78, s17;
	s10 =	smul.u32 $0x204, s10  }
0xb9: {  	s26 =	sadd.s32 $0x30, s8;
	s12 =	sshrl.u32 s12, $0x2;
	s13 =	smul.u32 $0x204, s13  }
0xba: {  	v0 =	vmov s9;
	s9 =	sand.u32 $0x3C00, s4;
	s12 =	sadd.s32 s12, s1;
	s14 =	sshrl.u32 s14, $0x2  }
0xbb: {  	s11 =	sshrl.u32 s11, $0x2;
	s10 =	sshrl.u32 s10, $0x2;
	s14 =	sadd.s32 s14, s1  }
0xbc: {  	s21 =	sadd.s32 s24, s12;
	s13 =	sshrl.u32 s13, $0x2;
	s12 =	smul.u32 $0x204, s19  }
0xbd: {  	s11 =	sadd.s32 s11, s1;
	s10 =	sadd.s32 s10, s1;
	s22 =	sadd.s32 s24, s14  }
0xbe: {  	s13 =	sadd.s32 s13, s1;
	s17 =	sadd.s32 s24, s11;
	s11 =	sand.u32 $0x78, s15  }
0xbf: {  	s15 =	sadd.s32 s24, s10;
	s23 =	sadd.s32 s24, s13;
	s13 =	sand.u32 $0x78, s25  }
0xc0: {  	s12 =	sshrl.u32 s12, $0x2;
	s25 =	sadd.s32 $0x20, s8;
	s13 =	smul.u32 $0x204, s13  }
0xc1: {  	s19 =	smul.u32 $0x204, s11;
	s12 =	sadd.s32 s12, s1;
	s14 =	sand.u32 $0x78, s25  }
0xc2: {  	s18 =	sadd.s32 s24, s12;
	s14 =	smul.u32 $0x204, s14;
	s16 =	sshrl.u32 s13, $0x2  }
0xc3: {  	s13 =	sshrl.u32 s19, $0x2;
	s19 =	sadd.s32 $0x60, s8;
	s12 =	sadd.s32 s16, s1  }
0xc4: {  	s14 =	sshrl.u32 s14, $0x2;
	s16 =	sadd.s32 $0x50, s8;
	s19 =	sand.u32 $0x78, s19  }
0xc5: {  	s11 =	sadd.s32 s24, s12;
	s12 =	sand.u32 $0x78, s20;
	s25 =	smul.u32 $0x204, s19  }
0xc6: {  	s8 =	sadd.s32 $0x70, s8;
	s16 =	sand.u32 $0x78, s16;
	s12 =	smul.u32 $0x204, s12  }
0xc7: {  	s8 =	sand.u32 $0x78, s8;
	s14 =	sadd.s32 s14, s1;
	s16 =	smul.u32 $0x204, s16  }
0xc8: {  	s8 =	smul.u32 $0x204, s8;
	s19 =	sadd.s32 s24, s14;
	s12 =	sshrl.u32 s12, $0x2  }
0xc9: {  	v1 =	vld.idx.msk [tilespmem:v0+s9+$0x0 ss:$0x1], $0xffff;
	s25 =	sshrl.u32 s25, $0x2;
	s10 =	sadd.s32 s12, s1;
	s12 =	sand.u32 $0x78, s26  }
0xca: {  	s8 =	sshrl.u32 s8, $0x2;
	s14 =	sadd.s32 s25, s1;
	s12 =	smul.u32 $0x204, s12  }
0xcb: {  	s16 =	sshrl.u32 s16, $0x2;
	s26 =	sadd.s32 s8, s1;
	s8 =	sadd.s32 s24, s14  }
0xcc: {  	s14 =	sadd.s32 s24, s26;
	s26 =	sadd.s32 $0xFFFFFC00, s4;
	s12 =	sshrl.u32 s12, $0x2  }
0xcd: {  	s20 =	sadd.s32 s12, s1;
	s12 =	sadd.s32 s24, s10;
	s10 =	sadd.s32 s16, s1  }
0xce: {  	[tilespmem:s21+$0x0 ss:$0x81] =	vst.msk $0xffff, v1;
	v1 =	vld.idx.msk [tilespmem:v0+s9+$0x20 ss:$0x1], $0xffff;
	s16 =	sadd.s32 s24, s10;
	s10 =	sand.u32 $0x3C00, s26  }
0xcf: {  	v2 =	vld.idx.msk [tilespmem:v0+s10+$0x70 ss:$0x1], $0xffff  }
0xd0: {  	v3 =	vld.idx.msk [tilespmem:v0+s10+$0x0 ss:$0x1], $0xffff  }
0xd1: {  	v4 =	vld.idx.msk [tilespmem:v0+s10+$0x10 ss:$0x1], $0xffff  }
0xd2: {  	v5 =	vld.idx.msk [tilespmem:v0+s10+$0x20 ss:$0x1], $0xffff  }
0xd3: {  	v6 =	vld.idx.msk [tilespmem:v0+s10+$0x30 ss:$0x1], $0xffff  }
0xd4: {  	v7 =	vld.idx.msk [tilespmem:v0+s10+$0x40 ss:$0x1], $0xffff;
	[tilespmem:s15+$0x0 ss:$0x81] =	vst.msk $0xffff, v2  }
0xd5: {  	v8 =	vld.idx.msk [tilespmem:v0+s10+$0x50 ss:$0x1], $0xffff;
	[tilespmem:s21+$0x0 ss:$0x81] =	vst.msk $0xffff, v3  }
0xd6: {  	p2 =	sgt.s32 s29, $0x100;
	v9 =	vld.idx.msk [tilespmem:v0+s10+$0x60 ss:$0x1], $0xffff;
	[tilespmem:s22+$0x0 ss:$0x81] =	vst.msk $0xffff, v4  }
.Ltmp12:
0xd7: {  	v4 =	vld.idx.msk [tilespmem:v0+s9+$0x10 ss:$0x1], $0xffff;
	[tilespmem:s23+$0x0 ss:$0x81] =	vst.msk $0xffff, v5;
	(pc) =	sbr.rel @!p2 .LBB1_11-.Ltmp12, $4  }
0xd8: {  	[tilespmem:s18+$0x0 ss:$0x81] =	vst.msk $0xffff, v6;
	v2 =	vld.idx.msk [tilespmem:v0+s9+$0x30 ss:$0x1], $0xffff  }
0xd9: {  	s13 =	sadd.s32 s13, s1;
	[tilespmem:s17+$0x0 ss:$0x81] =	vst.msk $0xffff, v7;
	v3 =	vld.idx.msk [tilespmem:v0+s9+$0x40 ss:$0x1], $0xffff  }
0xda: {  	s13 =	sadd.s32 s24, s13;
	[tilespmem:s11+$0x0 ss:$0x81] =	vst.msk $0xffff, v8;
	v5 =	vld.idx.msk [tilespmem:v0+s9+$0x50 ss:$0x1], $0xffff  }
0xdb: {  	s25 =	sadd.s32 $0x800, s4;
	s20 =	sadd.s32 s24, s20;
	s10 =	simm.s32 $0x100;
	[tilespmem:s13+$0x0 ss:$0x81] =	vst.msk $0xffff, v9;
	v6 =	vld.idx.msk [tilespmem:v0+s9+$0x60 ss:$0x1], $0xffff  }
.LBB1_10:
0xdc: {  	s26 =	sadd.s32 $0xFFFFFC00, s25;
	s10 =	sadd.s32 $0x100, s10;
	[tilespmem:s12+$0x0 ss:$0x81] =	vst.msk $0xffff, v4;
	v4 =	vld.idx.msk [tilespmem:v0+s9+$0x70 ss:$0x1], $0xffff;
	s9 =	sand.u32 $0x3C00, s25  }
0xdd: {  	s26 =	sand.u32 $0x3C00, s26;
	v7 =	vld.idx.msk [tilespmem:v0+s9+$0x0 ss:$0x1], $0xffff;
	p2 =	slt.s32 s10, s29;
	[tilespmem:s19+$0x0 ss:$0x81] =	vst.msk $0xffff, v1  }
0xde: {  	v1 =	vld.idx.msk [tilespmem:v0+s26+$0x70 ss:$0x1], $0xffff;
	[tilespmem:s20+$0x0 ss:$0x81] =	vst.msk $0xffff, v2  }
0xdf: {  	v2 =	vld.idx.msk [tilespmem:v0+s26+$0x0 ss:$0x1], $0xffff;
	[tilespmem:s17+$0x0 ss:$0x81] =	vst.msk $0xffff, v3  }
0xe0: {  	v3 =	vld.idx.msk [tilespmem:v0+s26+$0x10 ss:$0x1], $0xffff;
	[tilespmem:s16+$0x0 ss:$0x81] =	vst.msk $0xffff, v5  }
0xe1: {  	v5 =	vld.idx.msk [tilespmem:v0+s26+$0x20 ss:$0x1], $0xffff;
	[tilespmem:s8+$0x0 ss:$0x81] =	vst.msk $0xffff, v6  }
0xe2: {  	v6 =	vld.idx.msk [tilespmem:v0+s26+$0x30 ss:$0x1], $0xffff;
	[tilespmem:s14+$0x0 ss:$0x81] =	vst.msk $0xffff, v4  }
0xe3: {  	v8 =	vld.idx.msk [tilespmem:v0+s26+$0x40 ss:$0x1], $0xffff;
	[tilespmem:s21+$0x0 ss:$0x81] =	vst.msk $0xffff, v7  }
0xe4: {  	v7 =	vld.idx.msk [tilespmem:v0+s26+$0x50 ss:$0x1], $0xffff;
	[tilespmem:s15+$0x0 ss:$0x81] =	vst.msk $0xffff, v1  }
0xe5: {  	[tilespmem:s21+$0x0 ss:$0x81] =	vst.msk $0xffff, v2;
	v9 =	vld.idx.msk [tilespmem:v0+s26+$0x60 ss:$0x1], $0xffff  }
0xe6: {  	[tilespmem:s22+$0x0 ss:$0x81] =	vst.msk $0xffff, v3;
	v4 =	vld.idx.msk [tilespmem:v0+s9+$0x10 ss:$0x1], $0xffff  }
.Ltmp13:
0xe7: {  	[tilespmem:s23+$0x0 ss:$0x81] =	vst.msk $0xffff, v5;
	v1 =	vld.idx.msk [tilespmem:v0+s9+$0x20 ss:$0x1], $0xffff;
	(pc) =	sbr.rel @p2 .LBB1_10-.Ltmp13, $4  }
0xe8: {  	[tilespmem:s18+$0x0 ss:$0x81] =	vst.msk $0xffff, v6;
	v2 =	vld.idx.msk [tilespmem:v0+s9+$0x30 ss:$0x1], $0xffff  }
0xe9: {  	[tilespmem:s17+$0x0 ss:$0x81] =	vst.msk $0xffff, v8;
	v3 =	vld.idx.msk [tilespmem:v0+s9+$0x40 ss:$0x1], $0xffff  }
0xea: {  	[tilespmem:s11+$0x0 ss:$0x81] =	vst.msk $0xffff, v7;
	v5 =	vld.idx.msk [tilespmem:v0+s9+$0x50 ss:$0x1], $0xffff  }
0xeb: {  	s25 =	sadd.s32 $0x800, s25;
	[tilespmem:s13+$0x0 ss:$0x81] =	vst.msk $0xffff, v9;
	v6 =	vld.idx.msk [tilespmem:v0+s9+$0x60 ss:$0x1], $0xffff  }
.LBB1_11:
0xec: {  	_ =	sdelay $0x2  }
0xed: {  	[tilespmem:s12+$0x0 ss:$0x81] =	vst.msk $0xffff, v4  }
0xee: {  	v0 =	vld.idx.msk [tilespmem:v0+s9+$0x70 ss:$0x1], $0xffff;
	[tilespmem:s19+$0x0 ss:$0x81] =	vst.msk $0xffff, v1  }
0xef: {  	[tilespmem:s20+$0x0 ss:$0x81] =	vst.msk $0xffff, v2  }
0xf0: {  	[tilespmem:s17+$0x0 ss:$0x81] =	vst.msk $0xffff, v3  }
0xf1: {  	[tilespmem:s16+$0x0 ss:$0x81] =	vst.msk $0xffff, v5  }
0xf2: {  	[tilespmem:s8+$0x0 ss:$0x81] =	vst.msk $0xffff, v6  }
0xf3: {  	[tilespmem:s14+$0x0 ss:$0x81] =	vst.msk $0xffff, v0  }
.LBB1_12:
.Ltmp14:
0xf4: {  	(pc) =	sbr.rel @p1 .LBB1_15-.Ltmp14, $1  }
0xf5: {  	_ =	sdelay $0x3  }
0xf6: {  	s9 =	sand.u32 $0x380, s5;
	s8 =	sshrl.u32 s3, $0x4;
	s10 =	sadd.s32 s24, s1  }
0xf7: {  	s11 =	smov.u32 s0;
	s12 =	smov.u32 s29;
	s9 =	sadd.s32 s9, s7  }
.LBB1_14:
0xf8: {  	s13 =	sand.u32 $0x3C00, s11  }
0xf9: {  	s13 =	sadd.s32 s5, s13  }
0xfa: {  	s13 =	sand.u32 $0x3C00, s13  }
0xfb: {  	s14 =	sand.u32 $0x70, s12;
	s25 =	sadd.s32 s12, s8;
	s13 =	sadd.s32 s13, s9  }
0xfc: {  	s12 =	sadd.s32 $0x10, s12;
	s26 =	sand.u32 $0x78, s25;
	s13 =	sadd.s32 s14, s13  }
0xfd: {  	p2 =	slt.s32 s12, s28;
	v0 =	vld [tilespmem:s13+$0x0];
	s13 =	smul.u32 $0x204, s26  }
.Ltmp15:
0xfe: {  	_ = 	snop;
	(pc) =	sbr.rel @p2 .LBB1_14-.Ltmp15, $4  }
0xff: {  	_ = 	snop  }
0x100: {  	s13 =	sshrl.u32 s13, $0x2  }
0x101: {  	s13 =	sadd.s32 s13, s10  }
0x102: {  	s11 =	sadd.s32 $0x80, s11;
	[tilespmem:s13+$0x0 ss:$0x81] =	vst.msk $0xffff, v0  }
.Ltmp16:
0x103: {  	_ = 	snop;
	(pc) =	sbr.rel .LBB1_15-.Ltmp16, $1  }
0x104: {  	_ =	sdelay $0x3  }
.LBB1_20:
0x105: {  	_ =	sfence.sel $0x180000  }
0x106: {  	s0 =	simm.s32 $0x1;
	[bflag:$0x0] =	sbarrier.arrive $0xFFFF  }
0x107: {  	s31 =	simm.s32 $0x2;
	[sflag:s0] =	ssyncpa.u1 $0x1  }
0x108: {  	[sflag:s31] =	ssyncpa.u1 $0x1  }
0x109: {  	_ =	strace $0x90000047  }
0x10a: {  	[bflag:$0x2] =	sbarrier.arrive $0xFFFF  }
0x10b: {  	p0 =	sne.s32 s8, $0x0;
	s0 =	rddreg [dreg:$0x2]  }
0x10c: {  	s0 =	sadd.s32 @!p0 $0x100000, s0  }
0x10d: {  	[sflag:s0] =	ssyncadd.tile.s32 @!p0 $0x1;
	_ =	shalt  }
.Lfunc_end1:
_tile_overlayer_lowered:
.L_overlay_start_2:
0x10e: {  	(tag) =	ssettag $0x2  }
0x10f: {  	s0 =	rddreg [dreg:$0x0];
	s2 =	stileid.u32  }
0x110: {  	s1 =	rddreg [dreg:$0x1];
	p0 =	sne.s32 s2, $0x0  }
0x111: {  	s3 =	rddreg [dreg:$0x2];
	[bflag:$0x3] =	sbarrier.arrive $0xFFFF;
	s2 =	simm.s32 @!p0 $0x1C01  }
0x112: {  	[timem:s3], [sflag:s2] =	dma.local @!p0 [hbm:s0], s1  }
0x113: {  	s0 =	simm.s32 @!p0 $0x1  }
0x114: {  	_ =	swait.ge @!p0 [sflag:s0], s1  }
0x115: {  	s1 =	ssub.s32 @!p0 $0x0, s1;
	[sflag:s0] =	ssyncset.done @!p0 $0x0  }
0x116: {  	[sflag:s0] =	ssyncadd.s32 @!p0 s1  }
0x117: {  	[bflag:$0x3] =	sbarrier.arrive $0xFFFF  }
0x118: {  	_ =	shalt  }

</sc_bundles>
